<compile_context>
chip_gen: v7x
topology: tpu7x:2x2x1
jax: 0.10.2.dev20260603
libtpu: 0.0.44.dev20260713+nightly
codegen_flags: <defaults>
</compile_context>

<pallas_src>
import functools

import jax
import jax.numpy as jnp
from jax import lax
from jax.experimental import pallas as pl
from jax.experimental.pallas import tpu as pltpu
from jax.experimental.pallas import tpu_sc as plsc

N = 100000
B = 2000
NW = 32
L = 16
CHUNK = (N // (NW * L)) * L
TAIL_VECS = (N - NW * CHUNK) // L
CHUNK_PAD = CHUNK + L
NVEC = CHUNK // L + 1
PB = B // L

BLK = 25600
ASTEPS = -(-N // BLK)
NPAD = ASTEPS * BLK
FR = NPAD // 128



def _dense_body(w1_ref, w2_ref, w3_ref, w4_ref, a_ref,
                m1r, m2r, m3r, vr, m1p, m2p, m3p, vp,
                p_ref, cnt_ref):
    i = pl.program_id(0)
    a0 = a_ref[0:1, :]
    m = (a0 > 0.5).astype(jnp.float32)
    mf = m.reshape((BLK,))
    pos = lax.broadcasted_iota(jnp.int32, (BLK,), 0) + i * BLK
    mf = jnp.where(pos < N, mf, 0.0)
    d1 = m1r[...] - m1p[...]
    d2 = m2r[...] - m2p[...]
    d3 = m3r[...] - m3p[...]
    d4 = vr[...] - vp[...]
    q = (w1_ref[0, 0] * (d1 * d1) + w2_ref[0, 0] * (d2 * d2)
         + w3_ref[0, 0] * (d3 * d3) + w4_ref[0, 0] * (d4 * d4))
    p_ref[...] = jnp.where(pos < N, q * mf, 0.0)

    @pl.when(i == 0)
    def _():
        cnt_ref[0, 0] = 0.0

    cnt_ref[0, 0] += jnp.sum(mf)


_dense = pl.pallas_call(
    _dense_body,
    grid=(ASTEPS,),
    in_specs=[
        pl.BlockSpec(memory_space=pltpu.SMEM),
        pl.BlockSpec(memory_space=pltpu.SMEM),
        pl.BlockSpec(memory_space=pltpu.SMEM),
        pl.BlockSpec(memory_space=pltpu.SMEM),
        pl.BlockSpec((7, BLK), lambda i: (0, i)),
    ] + [pl.BlockSpec((BLK,), lambda i: (i,))] * 8,
    out_specs=[
        pl.BlockSpec((BLK,), lambda i: (i,)),
        pl.BlockSpec(memory_space=pltpu.SMEM),
    ],
    out_shape=[
        jax.ShapeDtypeStruct((NPAD,), jnp.float32),
        jax.ShapeDtypeStruct((1, 1), jnp.float32),
    ],
)



def _sc_body(batch_hbm, ptr_hbm, out_hbm,
             batch_v, ptr_v, inv2_v, g_v, sem):
    wid = lax.axis_index("s") * 2 + lax.axis_index("c")
    base = wid * CHUNK
    iota = lax.iota(jnp.int32, L)

    ptr_cp = pltpu.async_copy(ptr_hbm, ptr_v, sem)
    b_cp = pltpu.async_copy(batch_hbm.at[pl.ds(base, CHUNK)],
                            batch_v.at[pl.ds(0, CHUNK)], sem)

    ptr_cp.wait()
    b_cp.wait()

    b_lo = jnp.min(batch_v[pl.ds(0, L)])
    b_hi = jnp.max(batch_v[pl.ds(CHUNK - L, L)])
    g0 = (b_lo // L) * L
    ntbl = (b_hi - g0) // L + 1

    def pbody(k, _):
        off = g0 + k * L
        lo = ptr_v[pl.ds(off, L)]
        hi = plsc.load_gather(ptr_v, [off + 1 + iota])
        c = (hi - lo).astype(jnp.float32)
        inv2_v[pl.ds(off, L)] = 1.0 / (c * c)
        return 0

    lax.fori_loop(0, ntbl, pbody, 0)

    def body(k, _):
        off = k * L
        b = batch_v[pl.ds(off, L)]
        g_v[pl.ds(off, L)] = plsc.load_gather(inv2_v, [b])
        return 0

    lax.fori_loop(0, NVEC - 1, body, 0, unroll=4)
    pltpu.sync_copy(g_v.at[pl.ds(0, CHUNK)], out_hbm.at[pl.ds(base, CHUNK)])

    tail = N - TAIL_VECS * L + wid * L

    @pl.when(wid < TAIL_VECS)
    def _():
        pltpu.sync_copy(batch_hbm.at[pl.ds(tail, L)],
                        batch_v.at[pl.ds(CHUNK, L)])
        b_t = batch_v[pl.ds(CHUNK, L)]
        c_t = (plsc.load_gather(ptr_v, [b_t + 1])
               - plsc.load_gather(ptr_v, [b_t])).astype(jnp.float32)
        g_v[pl.ds(CHUNK, L)] = 1.0 / (c_t * c_t)
        pltpu.sync_copy(g_v.at[pl.ds(CHUNK, L)], out_hbm.at[pl.ds(tail, L)])


_sc_gather = functools.partial(
    pl.kernel,
    out_type=jax.ShapeDtypeStruct((NPAD,), jnp.float32),
    mesh=plsc.VectorSubcoreMesh(core_axis_name="c", subcore_axis_name="s"),
    compiler_params=pltpu.CompilerParams(
        needs_layout_passes=False, use_tc_tiling_on_sc=False),
    scratch_types=[
        pltpu.VMEM((CHUNK_PAD,), jnp.int32),
        pltpu.VMEM((B + 1,), jnp.int32),
        pltpu.VMEM((B,), jnp.float32),
        pltpu.VMEM((CHUNK_PAD,), jnp.float32),
        pltpu.SemaphoreType.DMA,
    ],
)(_sc_body)



def _fin_body(p_ref, g_ref, cnt_ref, o_ref):
    rows = lax.broadcasted_iota(jnp.int32, (FR, 128), 0)
    cols = lax.broadcasted_iota(jnp.int32, (FR, 128), 1)
    valid = rows * 128 + cols < N
    s = jnp.sum(jnp.where(valid, p_ref[...] * g_ref[...], 0.0))
    cnt = cnt_ref[0, 0]
    o_ref[0, 0] = jnp.where(cnt > 0, s / cnt, 0.0)


_finalize = pl.pallas_call(
    _fin_body,
    out_shape=jax.ShapeDtypeStruct((1, 1), jnp.float32),
    in_specs=[
        pl.BlockSpec(memory_space=pltpu.VMEM),
        pl.BlockSpec(memory_space=pltpu.VMEM),
        pl.BlockSpec(memory_space=pltpu.SMEM),
    ],
    out_specs=pl.BlockSpec(memory_space=pltpu.SMEM),
)


def kernel(node_attrs, batch, ptr, M1_ref, M2_ref, M3_ref, Veff_ref,
           M1_pred, M2_pred, M3_pred, Veff_pred,
           M1_weight, M2_weight, M3_weight, Veff_weight):
    batch = batch.astype(jnp.int32)
    ptr = ptr.astype(jnp.int32)
    ws = [jnp.asarray(x, jnp.float32).reshape(1, 1)
          for x in (M1_weight, M2_weight, M3_weight, Veff_weight)]
    g = _sc_gather(batch, ptr)
    p, cnt = _dense(*ws, node_attrs.T, M1_ref, M2_ref, M3_ref, Veff_ref,
                    M1_pred, M2_pred, M3_pred, Veff_pred)
    out = _finalize(p.reshape(FR, 128), g.reshape(FR, 128), cnt)
    return out[0, 0]

# --- scband reference (transcript-rebuilt; emitter-appended) ---
"""Pipeline reference for scband-weighted-xdms-veff-loss-48163763257718 (READ-ONLY COPY).

The authoritative reference and input builder live on the scoring server;
editing this copy changes nothing except your own understanding.
"""

import jax, jax.numpy as jnp
import numpy as np

N = 100000
B = 2000
Z_COL = 0  # z_to_index[z_target=1] = 0 (hydrogen channel)


def setup_inputs(seed: int = 0) -> dict:
    key = jax.random.key(seed)
    ks = jax.random.split(key, 12)
    # 0/1 species indicator channels (column 0 is the target species mask)
    node_attrs = jax.random.randint(ks[0], (N, 7), 0, 2).astype(jnp.float32)
    # PyG-style batch vector (sorted graph ids) and consistent ptr
    batch = jnp.sort(jax.random.randint(ks[1], (N,), 0, B)).astype(jnp.int64)
    counts = jnp.bincount(batch, length=B)
    ptr = jnp.concatenate([jnp.zeros((1,), dtype=jnp.int64), jnp.cumsum(counts).astype(jnp.int64)])
    inp = {
        'node_attrs': node_attrs,
        'batch': batch,
        'ptr': ptr,
        'M1_ref': jax.random.normal(ks[2], (N,), dtype=jnp.float32),
        'M2_ref': jax.random.normal(ks[3], (N,), dtype=jnp.float32),
        'M3_ref': jax.random.normal(ks[4], (N,), dtype=jnp.float32),
        'Veff_ref': jax.random.normal(ks[5], (N,), dtype=jnp.float32),
        'M1_pred': jax.random.normal(ks[6], (N,), dtype=jnp.float32),
        'M2_pred': jax.random.normal(ks[7], (N,), dtype=jnp.float32),
        'M3_pred': jax.random.normal(ks[8], (N,), dtype=jnp.float32),
        'Veff_pred': jax.random.normal(ks[9], (N,), dtype=jnp.float32),
        'M1_weight': jnp.asarray(1.0, dtype=jnp.float32),
        'M2_weight': jnp.asarray(1.0, dtype=jnp.float32),
        'M3_weight': jnp.asarray(1.0, dtype=jnp.float32),
        'Veff_weight': jnp.asarray(1.0, dtype=jnp.float32),
    }
    return inp


def reference(node_attrs, batch, ptr, M1_ref, M2_ref, M3_ref, Veff_ref,
              M1_pred, M2_pred, M3_pred, Veff_pred,
              M1_weight, M2_weight, M3_weight, Veff_weight):
    # species mask for target z (bool -> float for jit-safe masked mean)
    mask_f = (node_attrs[:, Z_COL] > 0.5).astype(jnp.float32)
    cnt = mask_f.sum()
    # per-node number of atoms of its parent graph: gather of (ptr[1:] - ptr[:-1]) by batch id
    num_atoms = jnp.take(ptr[1:] - ptr[:-1], batch).astype(jnp.float32)

    def wmse(t, p):
        raw = jnp.square((t - p) / num_atoms) * mask_f
        return jnp.where(cnt > 0, raw.sum() / cnt, jnp.asarray(0.0, jnp.float32))

    loss_M1 = wmse(M1_ref, M1_pred)
    loss_M2 = wmse(M2_ref, M2_pred)
    loss_M3 = wmse(M3_ref, M3_pred)
    loss_Veff = wmse(Veff_ref, Veff_pred)
    return M1_weight * loss_M1 + M2_weight * loss_M2 + M3_weight * loss_M3 + Veff_weight * loss_Veff

if __name__ == "__main__":
    import jax
    _d = setup_inputs()
    print(jax.jit(kernel)(*tuple(_d.values())))

</pallas_src>

<mosaic_0001>
#map = affine_map<(d0, d1) -> (0)>
module attributes {stable_mosaic.version = 14 : i64} {
  func.func @_sc_body(%arg0: i32, %arg1: i32, %arg2: memref<100000xi32, #tpu.memory_space<hbm>>, %arg3: memref<2001xi32, #tpu.memory_space<hbm>>, %arg4: memref<102400xf32, #tpu.memory_space<hbm>>, %arg5: memref<3136xi32, #tpu.memory_space<vmem>>, %arg6: memref<2001xi32, #tpu.memory_space<vmem>>, %arg7: memref<2000xf32, #tpu.memory_space<vmem>>, %arg8: memref<3136xf32, #tpu.memory_space<vmem>>, %arg9: memref<!tpu.dma_semaphore, #tpu.memory_space<semaphore_mem>>) attributes {dimension_semantics = [#tpu.dimension_semantics<core_parallel>, #tpu.dimension_semantics<subcore_parallel>], iteration_bounds = array<i64: 2, 16>, scalar_prefetch = 0 : i64, scratch_operands = 5 : i64, tpu.core_type = #tpu.core_type<sc_vector_subcore>, window_params = [{transform_indices = #map}, {transform_indices = #map}, {transform_indices = #map}]} {
    %mul3A = arith.constant 2 : i32
    %mul3A_0 = arith.muli %arg1, %mul3A : i32
    %add3A = arith.addi %mul3A_0, %arg0 : i32
    %mul3A_1 = arith.constant 3120 : i32
    %mul3A_2 = arith.muli %add3A, %mul3A_1 : i32
    %iota3A = tpu.iota {dimensions = array<i32: 0>} : vector<16xi32>
    tpu.enqueue_dma source(%arg3 : memref<2001xi32, #tpu.memory_space<hbm>>) target(%arg6 : memref<2001xi32, #tpu.memory_space<vmem>>) target_semaphore(%arg9 : memref<!tpu.dma_semaphore, #tpu.memory_space<semaphore_mem>>)
    %dma_start3A = arith.constant 0 : i32
    %dma_start3A_3 = tpu.memref_slice %arg5[%dma_start3A] : memref<3136xi32, #tpu.memory_space<vmem>> -> memref<3120xi32, #tpu.memory_space<vmem>>
    %dma_start3A_4 = tpu.memref_slice %arg2[%mul3A_2] : memref<100000xi32, #tpu.memory_space<hbm>> -> memref<3120xi32, #tpu.memory_space<hbm>>
    %dma_start3A_5 = arith.constant 0 : i32
    %dma_start3A_6 = tpu.memref_slice %arg5[%dma_start3A_5] : memref<3136xi32, #tpu.memory_space<vmem>> -> memref<3120xi32, #tpu.memory_space<vmem>>
    %dma_start3A_7 = tpu.memref_slice %arg2[%mul3A_2] : memref<100000xi32, #tpu.memory_space<hbm>> -> memref<3120xi32, #tpu.memory_space<hbm>>
    tpu.enqueue_dma source(%dma_start3A_7 : memref<3120xi32, #tpu.memory_space<hbm>>) target(%dma_start3A_6 : memref<3120xi32, #tpu.memory_space<vmem>>) target_semaphore(%arg9 : memref<!tpu.dma_semaphore, #tpu.memory_space<semaphore_mem>>)
    tpu.wait_dma2 semaphore(%arg9 : memref<!tpu.dma_semaphore, #tpu.memory_space<semaphore_mem>>) src(%arg3 : memref<2001xi32, #tpu.memory_space<hbm>>) dst(%arg6 : memref<2001xi32, #tpu.memory_space<vmem>>)
    %dma_wait3A = arith.constant 0 : i32
    %dma_wait3A_8 = tpu.memref_slice %arg5[%dma_wait3A] : memref<3136xi32, #tpu.memory_space<vmem>> -> memref<3120xi32, #tpu.memory_space<vmem>>
    %dma_wait3A_9 = tpu.memref_slice %arg2[%mul3A_2] : memref<100000xi32, #tpu.memory_space<hbm>> -> memref<3120xi32, #tpu.memory_space<hbm>>
    %dma_wait3A_10 = arith.constant 0 : i32
    %dma_wait3A_11 = tpu.memref_slice %arg5[%dma_wait3A_10] : memref<3136xi32, #tpu.memory_space<vmem>> -> memref<3120xi32, #tpu.memory_space<vmem>>
    %dma_wait3A_12 = tpu.memref_slice %arg2[%mul3A_2] : memref<100000xi32, #tpu.memory_space<hbm>> -> memref<3120xi32, #tpu.memory_space<hbm>>
    tpu.wait_dma2 semaphore(%arg9 : memref<!tpu.dma_semaphore, #tpu.memory_space<semaphore_mem>>) src(%dma_wait3A_12 : memref<3120xi32, #tpu.memory_space<hbm>>) dst(%dma_wait3A_11 : memref<3120xi32, #tpu.memory_space<vmem>>)
    %get3A = arith.constant 0 : index
    %get3A_13 = tpu.vector_load %arg5[%get3A] {strides = array<i32>} : memref<3136xi32, #tpu.memory_space<vmem>>, vector<16xi32>,
    %reduce_min3A = arith.constant true
    %reduce_min3A_14 = vector.broadcast %reduce_min3A : i1 to vector<16xi1>
    %reduce_min3A_15 = arith.constant -2147483648 : i32
    %reduce_min3A_16 = vector.broadcast %reduce_min3A_15 : i32 to vector<16xi32>
    %reduce_min3A_17 = arith.xori %get3A_13, %reduce_min3A_16 : vector<16xi32>
    %reduce_min3A_18 = tpu.scan <min>, %reduce_min3A_17 masked %reduce_min3A_14 : vector<16xi32>, vector<16xi1> -> vector<16xi32>
    %reduce_min3A_19 = arith.xori %reduce_min3A_18, %reduce_min3A_16 : vector<16xi32>
    %reduce_min3A_20 = vector.extract %reduce_min3A_19[15] : i32 from vector<16xi32>
    %get3A_21 = arith.constant 3104 : index
    %get3A_22 = tpu.vector_load %arg5[%get3A_21] {strides = array<i32>} : memref<3136xi32, #tpu.memory_space<vmem>>, vector<16xi32>,
    %reduce_max3A = arith.constant true
    %reduce_max3A_23 = vector.broadcast %reduce_max3A : i1 to vector<16xi1>
    %reduce_max3A_24 = arith.constant -2147483648 : i32
    %reduce_max3A_25 = vector.broadcast %reduce_max3A_24 : i32 to vector<16xi32>
    %reduce_max3A_26 = arith.xori %get3A_22, %reduce_max3A_25 : vector<16xi32>
    %reduce_max3A_27 = tpu.scan <max>, %reduce_max3A_26 masked %reduce_max3A_23 : vector<16xi32>, vector<16xi1> -> vector<16xi32>
    %reduce_max3A_28 = arith.xori %reduce_max3A_27, %reduce_max3A_25 : vector<16xi32>
    %reduce_max3A_29 = vector.extract %reduce_max3A_28[15] : i32 from vector<16xi32>
    %jit3A = arith.constant 16 : i32
    %div3A = arith.divsi %reduce_min3A_20, %jit3A : i32
    %sign3A = arith.constant 0 : i32
    %sign3A_30 = arith.cmpi sgt, %reduce_min3A_20, %sign3A : i32
    %sign3A_31 = arith.extui %sign3A_30 : i1 to i32
    %sign3A_32 = arith.constant 0 : i32
    %sign3A_33 = arith.cmpi slt, %reduce_min3A_20, %sign3A_32 : i32
    %sign3A_34 = arith.extui %sign3A_33 : i1 to i32
    %sign3A_35 = arith.subi %sign3A_31, %sign3A_34 : i32
    %sign3A_36 = arith.constant 0 : i32
    %sign3A_37 = arith.cmpi sgt, %jit3A, %sign3A_36 : i32
    %sign3A_38 = arith.extui %sign3A_37 : i1 to i32
    %sign3A_39 = arith.constant 0 : i32
    %sign3A_40 = arith.cmpi slt, %jit3A, %sign3A_39 : i32
    %sign3A_41 = arith.extui %sign3A_40 : i1 to i32
    %sign3A_42 = arith.subi %sign3A_38, %sign3A_41 : i32
    %ne3A = arith.cmpi ne, %sign3A_35, %sign3A_42 : i32
    %rem3A = arith.remsi %reduce_min3A_20, %jit3A : i32
    %ne3A_43 = arith.constant 0 : i32
    %ne3A_44 = arith.cmpi ne, %rem3A, %ne3A_43 : i32
    %and3A = arith.andi %ne3A, %ne3A_44 : i1
    %sub3A = arith.constant 1 : i32
    %sub3A_45 = arith.subi %div3A, %sub3A : i32
    %select_n3A = arith.select %and3A, %sub3A_45, %div3A : i32
    %mul3A_46 = arith.constant 16 : i32
    %mul3A_47 = arith.muli %select_n3A, %mul3A_46 : i32
    %sub3A_48 = arith.subi %reduce_max3A_29, %mul3A_47 : i32
    %jit3A_49 = arith.constant 16 : i32
    %div3A_50 = arith.divsi %sub3A_48, %jit3A_49 : i32
    %sign3A_51 = arith.constant 0 : i32
    %sign3A_52 = arith.cmpi sgt, %sub3A_48, %sign3A_51 : i32
    %sign3A_53 = arith.extui %sign3A_52 : i1 to i32
    %sign3A_54 = arith.constant 0 : i32
    %sign3A_55 = arith.cmpi slt, %sub3A_48, %sign3A_54 : i32
    %sign3A_56 = arith.extui %sign3A_55 : i1 to i32
    %sign3A_57 = arith.subi %sign3A_53, %sign3A_56 : i32
    %sign3A_58 = arith.constant 0 : i32
    %sign3A_59 = arith.cmpi sgt, %jit3A_49, %sign3A_58 : i32
    %sign3A_60 = arith.extui %sign3A_59 : i1 to i32
    %sign3A_61 = arith.constant 0 : i32
    %sign3A_62 = arith.cmpi slt, %jit3A_49, %sign3A_61 : i32
    %sign3A_63 = arith.extui %sign3A_62 : i1 to i32
    %sign3A_64 = arith.subi %sign3A_60, %sign3A_63 : i32
    %ne3A_65 = arith.cmpi ne, %sign3A_57, %sign3A_64 : i32
    %rem3A_66 = arith.remsi %sub3A_48, %jit3A_49 : i32
    %ne3A_67 = arith.constant 0 : i32
    %ne3A_68 = arith.cmpi ne, %rem3A_66, %ne3A_67 : i32
    %and3A_69 = arith.andi %ne3A_65, %ne3A_68 : i1
    %sub3A_70 = arith.constant 1 : i32
    %sub3A_71 = arith.subi %div3A_50, %sub3A_70 : i32
    %select_n3A_72 = arith.select %and3A_69, %sub3A_71, %div3A_50 : i32
    %add3A_73 = arith.constant 1 : i32
    %add3A_74 = arith.addi %select_n3A_72, %add3A_73 : i32
    %while3A = arith.constant 0 : i32
    %while3A_75 = arith.constant 0 : i32
    %while3A_76 = arith.subi %add3A_74, %while3A : i32
    %while3A_77 = arith.addi %while3A, %while3A_76 : i32
    %while3A_78 = arith.constant 1 : i32
    %while3A_79 = arith.divsi %while3A_76, %while3A_78 : i32
    %while3A_80 = arith.muli %while3A_79, %while3A_78 : i32
    %while3A_81 = arith.addi %while3A, %while3A_80 : i32
    %while3A_82 = arith.constant 1 : i32
    %while3A_83 = scf.for %while3A_126 = %while3A to %while3A_81 step %while3A_82 iter_args(%while3A_127 = %while3A_75) -> (i32)  : i32 {
      %mul3A_128 = arith.constant 16 : i32
      %mul3A_129 = arith.muli %while3A_126, %mul3A_128 : i32
      %add3A_130 = arith.addi %mul3A_47, %mul3A_129 : i32
      %get3A_131 = arith.index_cast %add3A_130 : i32 to index
      %get3A_132 = tpu.vector_load %arg6[%get3A_131] {strides = array<i32>} : memref<2001xi32, #tpu.memory_space<vmem>>, vector<16xi32>,
      %add3A_133 = arith.constant 1 : i32
      %add3A_134 = arith.addi %add3A_130, %add3A_133 : i32
      %add3A_135 = vector.broadcast %add3A_134 : i32 to vector<16xi32>
      %add3A_136 = arith.addi %add3A_135, %iota3A : vector<16xi32>
      %gather3A_137 = tpu.vector_load_idx %arg6[%add3A_136] : memref<2001xi32, #tpu.memory_space<vmem>>[vector<16xi32>], vector<16xi32>,
      %sub3A_138 = arith.subi %gather3A_137, %get3A_132 : vector<16xi32>
      %convert_element_type3A_139 = arith.sitofp %sub3A_138 : vector<16xi32> to vector<16xf32>
      %mul3A_140 = arith.mulf %convert_element_type3A_139, %convert_element_type3A_139 : vector<16xf32>
      %div3A_141 = arith.constant 1.000000e+00 : f32
      %div3A_142 = vector.broadcast %div3A_141 : f32 to vector<16xf32>
      %div3A_143 = arith.divf %div3A_142, %mul3A_140 : vector<16xf32>
      %swap3A_144 = arith.index_cast %add3A_130 : i32 to index
      %swap3A_145 = tpu.vector_load %arg7[%swap3A_144] {strides = array<i32>} : memref<2000xf32, #tpu.memory_space<vmem>>, vector<16xf32>,
      tpu.vector_store %arg7[%swap3A_144], %div3A_143 {strides = array<i32>} : memref<2000xf32, #tpu.memory_space<vmem>>, vector<16xf32>,
      %while3A_146 = arith.constant 0 : i32
      scf.yield %while3A_146 : i32
    }
    %while3A_84 = arith.constant 1 : i32
    %while3A_85 = scf.for %while3A_126 = %while3A_81 to %while3A_77 step %while3A_84 iter_args(%while3A_127 = %while3A_83) -> (i32)  : i32 {
      %mul3A_128 = arith.constant 16 : i32
      %mul3A_129 = arith.muli %while3A_126, %mul3A_128 : i32
      %add3A_130 = arith.addi %mul3A_47, %mul3A_129 : i32
      %get3A_131 = arith.index_cast %add3A_130 : i32 to index
      %get3A_132 = tpu.vector_load %arg6[%get3A_131] {strides = array<i32>} : memref<2001xi32, #tpu.memory_space<vmem>>, vector<16xi32>,
      %add3A_133 = arith.constant 1 : i32
      %add3A_134 = arith.addi %add3A_130, %add3A_133 : i32
      %add3A_135 = vector.broadcast %add3A_134 : i32 to vector<16xi32>
      %add3A_136 = arith.addi %add3A_135, %iota3A : vector<16xi32>
      %gather3A_137 = tpu.vector_load_idx %arg6[%add3A_136] : memref<2001xi32, #tpu.memory_space<vmem>>[vector<16xi32>], vector<16xi32>,
      %sub3A_138 = arith.subi %gather3A_137, %get3A_132 : vector<16xi32>
      %convert_element_type3A_139 = arith.sitofp %sub3A_138 : vector<16xi32> to vector<16xf32>
      %mul3A_140 = arith.mulf %convert_element_type3A_139, %convert_element_type3A_139 : vector<16xf32>
      %div3A_141 = arith.constant 1.000000e+00 : f32
      %div3A_142 = vector.broadcast %div3A_141 : f32 to vector<16xf32>
      %div3A_143 = arith.divf %div3A_142, %mul3A_140 : vector<16xf32>
      %swap3A_144 = arith.index_cast %add3A_130 : i32 to index
      %swap3A_145 = tpu.vector_load %arg7[%swap3A_144] {strides = array<i32>} : memref<2000xf32, #tpu.memory_space<vmem>>, vector<16xf32>,
      tpu.vector_store %arg7[%swap3A_144], %div3A_143 {strides = array<i32>} : memref<2000xf32, #tpu.memory_space<vmem>>, vector<16xf32>,
      %while3A_146 = arith.constant 0 : i32
      scf.yield %while3A_146 : i32
    }
    %scan3A = arith.constant 0 : i32
    %scan3A_86 = arith.constant 0 : i32
    %scan3A_87 = arith.constant 192 : i32
    %scan3A_88 = arith.addi %scan3A_86, %scan3A_87 : i32
    %scan3A_89 = arith.constant 4 : i32
    %scan3A_90 = scf.for %scan3A_126 = %scan3A_86 to %scan3A_88 step %scan3A_89 iter_args(%scan3A_127 = %scan3A) -> (i32)  : i32 {
      %mul3A_128 = arith.constant 16 : i32
      %mul3A_129 = arith.muli %scan3A_126, %mul3A_128 : i32
      %get3A_130 = arith.index_cast %mul3A_129 : i32 to index
      %get3A_131 = tpu.vector_load %arg5[%get3A_130] {strides = array<i32>} : memref<3136xi32, #tpu.memory_space<vmem>>, vector<16xi32>,
      %gather3A_132 = tpu.vector_load_idx %arg7[%get3A_131] : memref<2000xf32, #tpu.memory_space<vmem>>[vector<16xi32>], vector<16xf32>,
      %swap3A_133 = arith.index_cast %mul3A_129 : i32 to index
      %swap3A_134 = tpu.vector_load %arg8[%swap3A_133] {strides = array<i32>} : memref<3136xf32, #tpu.memory_space<vmem>>, vector<16xf32>,
      tpu.vector_store %arg8[%swap3A_133], %gather3A_132 {strides = array<i32>} : memref<3136xf32, #tpu.memory_space<vmem>>, vector<16xf32>,
      %scan3A_135 = arith.constant 0 : i32
      %scan3A_136 = arith.constant 1 : i32
      %scan3A_137 = arith.addi %scan3A_126, %scan3A_136 : i32
      %mul3A_138 = arith.constant 16 : i32
      %mul3A_139 = arith.muli %scan3A_137, %mul3A_138 : i32
      %get3A_140 = arith.index_cast %mul3A_139 : i32 to index
      %get3A_141 = tpu.vector_load %arg5[%get3A_140] {strides = array<i32>} : memref<3136xi32, #tpu.memory_space<vmem>>, vector<16xi32>,
      %gather3A_142 = tpu.vector_load_idx %arg7[%get3A_141] : memref<2000xf32, #tpu.memory_space<vmem>>[vector<16xi32>], vector<16xf32>,
      %swap3A_143 = arith.index_cast %mul3A_139 : i32 to index
      %swap3A_144 = tpu.vector_load %arg8[%swap3A_143] {strides = array<i32>} : memref<3136xf32, #tpu.memory_space<vmem>>, vector<16xf32>,
      tpu.vector_store %arg8[%swap3A_143], %gather3A_142 {strides = array<i32>} : memref<3136xf32, #tpu.memory_space<vmem>>, vector<16xf32>,
      %scan3A_145 = arith.constant 0 : i32
      %scan3A_146 = arith.constant 2 : i32
      %scan3A_147 = arith.addi %scan3A_126, %scan3A_146 : i32
      %mul3A_148 = arith.constant 16 : i32
      %mul3A_149 = arith.muli %scan3A_147, %mul3A_148 : i32
      %get3A_150 = arith.index_cast %mul3A_149 : i32 to index
      %get3A_151 = tpu.vector_load %arg5[%get3A_150] {strides = array<i32>} : memref<3136xi32, #tpu.memory_space<vmem>>, vector<16xi32>,
      %gather3A_152 = tpu.vector_load_idx %arg7[%get3A_151] : memref<2000xf32, #tpu.memory_space<vmem>>[vector<16xi32>], vector<16xf32>,
      %swap3A_153 = arith.index_cast %mul3A_149 : i32 to index
      %swap3A_154 = tpu.vector_load %arg8[%swap3A_153] {strides = array<i32>} : memref<3136xf32, #tpu.memory_space<vmem>>, vector<16xf32>,
      tpu.vector_store %arg8[%swap3A_153], %gather3A_152 {strides = array<i32>} : memref<3136xf32, #tpu.memory_space<vmem>>, vector<16xf32>,
      %scan3A_155 = arith.constant 0 : i32
      %scan3A_156 = arith.constant 3 : i32
      %scan3A_157 = arith.addi %scan3A_126, %scan3A_156 : i32
      %mul3A_158 = arith.constant 16 : i32
      %mul3A_159 = arith.muli %scan3A_157, %mul3A_158 : i32
      %get3A_160 = arith.index_cast %mul3A_159 : i32 to index
      %get3A_161 = tpu.vector_load %arg5[%get3A_160] {strides = array<i32>} : memref<3136xi32, #tpu.memory_space<vmem>>, vector<16xi32>,
      %gather3A_162 = tpu.vector_load_idx %arg7[%get3A_161] : memref<2000xf32, #tpu.memory_space<vmem>>[vector<16xi32>], vector<16xf32>,
      %swap3A_163 = arith.index_cast %mul3A_159 : i32 to index
      %swap3A_164 = tpu.vector_load %arg8[%swap3A_163] {strides = array<i32>} : memref<3136xf32, #tpu.memory_space<vmem>>, vector<16xf32>,
      tpu.vector_store %arg8[%swap3A_163], %gather3A_162 {strides = array<i32>} : memref<3136xf32, #tpu.memory_space<vmem>>, vector<16xf32>,
      %scan3A_165 = arith.constant 0 : i32
      scf.yield %scan3A_165 : i32
    }
    %scan3A_91 = arith.constant 192 : i32
    %scan3A_92 = arith.addi %scan3A_86, %scan3A_91 : i32
    %mul3A_93 = arith.constant 16 : i32
    %mul3A_94 = arith.muli %scan3A_92, %mul3A_93 : i32
    %get3A_95 = arith.index_cast %mul3A_94 : i32 to index
    %get3A_96 = tpu.vector_load %arg5[%get3A_95] {strides = array<i32>} : memref<3136xi32, #tpu.memory_space<vmem>>, vector<16xi32>,
    %gather3A = tpu.vector_load_idx %arg7[%get3A_96] : memref<2000xf32, #tpu.memory_space<vmem>>[vector<16xi32>], vector<16xf32>,
    %swap3A = arith.index_cast %mul3A_94 : i32 to index
    %swap3A_97 = tpu.vector_load %arg8[%swap3A] {strides = array<i32>} : memref<3136xf32, #tpu.memory_space<vmem>>, vector<16xf32>,
    tpu.vector_store %arg8[%swap3A], %gather3A {strides = array<i32>} : memref<3136xf32, #tpu.memory_space<vmem>>, vector<16xf32>,
    %scan3A_98 = arith.constant 0 : i32
    %scan3A_99 = arith.constant 193 : i32
    %scan3A_100 = arith.addi %scan3A_86, %scan3A_99 : i32
    %mul3A_101 = arith.constant 16 : i32
    %mul3A_102 = arith.muli %scan3A_100, %mul3A_101 : i32
    %get3A_103 = arith.index_cast %mul3A_102 : i32 to index
    %get3A_104 = tpu.vector_load %arg5[%get3A_103] {strides = array<i32>} : memref<3136xi32, #tpu.memory_space<vmem>>, vector<16xi32>,
    %gather3A_105 = tpu.vector_load_idx %arg7[%get3A_104] : memref<2000xf32, #tpu.memory_space<vmem>>[vector<16xi32>], vector<16xf32>,
    %swap3A_106 = arith.index_cast %mul3A_102 : i32 to index
    %swap3A_107 = tpu.vector_load %arg8[%swap3A_106] {strides = array<i32>} : memref<3136xf32, #tpu.memory_space<vmem>>, vector<16xf32>,
    tpu.vector_store %arg8[%swap3A_106], %gather3A_105 {strides = array<i32>} : memref<3136xf32, #tpu.memory_space<vmem>>, vector<16xf32>,
    %scan3A_108 = arith.constant 0 : i32
    %scan3A_109 = arith.constant 194 : i32
    %scan3A_110 = arith.addi %scan3A_86, %scan3A_109 : i32
    %mul3A_111 = arith.constant 16 : i32
    %mul3A_112 = arith.muli %scan3A_110, %mul3A_111 : i32
    %get3A_113 = arith.index_cast %mul3A_112 : i32 to index
    %get3A_114 = tpu.vector_load %arg5[%get3A_113] {strides = array<i32>} : memref<3136xi32, #tpu.memory_space<vmem>>, vector<16xi32>,
    %gather3A_115 = tpu.vector_load_idx %arg7[%get3A_114] : memref<2000xf32, #tpu.memory_space<vmem>>[vector<16xi32>], vector<16xf32>,
    %swap3A_116 = arith.index_cast %mul3A_112 : i32 to index
    %swap3A_117 = tpu.vector_load %arg8[%swap3A_116] {strides = array<i32>} : memref<3136xf32, #tpu.memory_space<vmem>>, vector<16xf32>,
    tpu.vector_store %arg8[%swap3A_116], %gather3A_115 {strides = array<i32>} : memref<3136xf32, #tpu.memory_space<vmem>>, vector<16xf32>,
    %scan3A_118 = arith.constant 0 : i32
    %scan3A_119 = arith.constant 195 : i32
    "tpu.region"() ({
      %run_scoped3A = tpu.sem_alloc : memref<!tpu.dma_semaphore, #tpu.memory_space<semaphore_mem>>
      %dma_start3A_126 = arith.constant 0 : i32
      %dma_start3A_127 = tpu.memref_slice %arg8[%dma_start3A_126] : memref<3136xf32, #tpu.memory_space<vmem>> -> memref<3120xf32, #tpu.memory_space<vmem>>
      %dma_start3A_128 = tpu.memref_slice %arg4[%mul3A_2] : memref<102400xf32, #tpu.memory_space<hbm>> -> memref<3120xf32, #tpu.memory_space<hbm>>
      %dma_start3A_129 = tpu.memref_slice %arg4[%mul3A_2] : memref<102400xf32, #tpu.memory_space<hbm>> -> memref<3120xf32, #tpu.memory_space<hbm>>
      %dma_start3A_130 = arith.constant 0 : i32
      %dma_start3A_131 = tpu.memref_slice %arg8[%dma_start3A_130] : memref<3136xf32, #tpu.memory_space<vmem>> -> memref<3120xf32, #tpu.memory_space<vmem>>
      tpu.enqueue_dma source(%dma_start3A_131 : memref<3120xf32, #tpu.memory_space<vmem>>) target(%dma_start3A_129 : memref<3120xf32, #tpu.memory_space<hbm>>) target_semaphore(%run_scoped3A : memref<!tpu.dma_semaphore, #tpu.memory_space<semaphore_mem>>)
      %dma_wait3A_132 = arith.constant 0 : i32
      %dma_wait3A_133 = tpu.memref_slice %arg8[%dma_wait3A_132] : memref<3136xf32, #tpu.memory_space<vmem>> -> memref<3120xf32, #tpu.memory_space<vmem>>
      %dma_wait3A_134 = tpu.memref_slice %arg4[%mul3A_2] : memref<102400xf32, #tpu.memory_space<hbm>> -> memref<3120xf32, #tpu.memory_space<hbm>>
      %dma_wait3A_135 = tpu.memref_slice %arg4[%mul3A_2] : memref<102400xf32, #tpu.memory_space<hbm>> -> memref<3120xf32, #tpu.memory_space<hbm>>
      %dma_wait3A_136 = arith.constant 0 : i32
      %dma_wait3A_137 = tpu.memref_slice %arg8[%dma_wait3A_136] : memref<3136xf32, #tpu.memory_space<vmem>> -> memref<3120xf32, #tpu.memory_space<vmem>>
      tpu.wait_dma2 semaphore(%run_scoped3A : memref<!tpu.dma_semaphore, #tpu.memory_space<semaphore_mem>>) src(%dma_wait3A_137 : memref<3120xf32, #tpu.memory_space<vmem>>) dst(%dma_wait3A_135 : memref<3120xf32, #tpu.memory_space<hbm>>)
      tpu.yield
    }) : () -> ()
    %mul3A_120 = arith.constant 16 : i32
    %mul3A_121 = arith.muli %add3A, %mul3A_120 : i32
    %add3A_122 = arith.constant 99840 : i32
    %add3A_123 = arith.addi %add3A_122, %mul3A_121 : i32
    %lt3A = arith.constant 10 : i32
    %lt3A_124 = arith.cmpi slt, %add3A, %lt3A : i32
    %convert_element_type3A = arith.extui %lt3A_124 : i1 to i32
    %cond3A = arith.constant 0 : i32
    %cond3A_125 = arith.cmpi ne, %convert_element_type3A, %cond3A : i32
    scf.if %cond3A_125 {
      "tpu.region"() ({
        %run_scoped3A = tpu.sem_alloc : memref<!tpu.dma_semaphore, #tpu.memory_space<semaphore_mem>>
        %dma_start3A_141 = arith.constant 3120 : i32
        %dma_start3A_142 = tpu.memref_slice %arg5[%dma_start3A_141] : memref<3136xi32, #tpu.memory_space<vmem>> -> memref<16xi32, #tpu.memory_space<vmem>>
        %dma_start3A_143 = tpu.memref_slice %arg2[%add3A_123] : memref<100000xi32, #tpu.memory_space<hbm>> -> memref<16xi32, #tpu.memory_space<hbm>>
        %dma_start3A_144 = arith.constant 3120 : i32
        %dma_start3A_145 = tpu.memref_slice %arg5[%dma_start3A_144] : memref<3136xi32, #tpu.memory_space<vmem>> -> memref<16xi32, #tpu.memory_space<vmem>>
        %dma_start3A_146 = tpu.memref_slice %arg2[%add3A_123] : memref<100000xi32, #tpu.memory_space<hbm>> -> memref<16xi32, #tpu.memory_space<hbm>>
        tpu.enqueue_dma source(%dma_start3A_146 : memref<16xi32, #tpu.memory_space<hbm>>) target(%dma_start3A_145 : memref<16xi32, #tpu.memory_space<vmem>>) target_semaphore(%run_scoped3A : memref<!tpu.dma_semaphore, #tpu.memory_space<semaphore_mem>>)
        %dma_wait3A_147 = arith.constant 3120 : i32
        %dma_wait3A_148 = tpu.memref_slice %arg5[%dma_wait3A_147] : memref<3136xi32, #tpu.memory_space<vmem>> -> memref<16xi32, #tpu.memory_space<vmem>>
        %dma_wait3A_149 = tpu.memref_slice %arg2[%add3A_123] : memref<100000xi32, #tpu.memory_space<hbm>> -> memref<16xi32, #tpu.memory_space<hbm>>
        %dma_wait3A_150 = arith.constant 3120 : i32
        %dma_wait3A_151 = tpu.memref_slice %arg5[%dma_wait3A_150] : memref<3136xi32, #tpu.memory_space<vmem>> -> memref<16xi32, #tpu.memory_space<vmem>>
        %dma_wait3A_152 = tpu.memref_slice %arg2[%add3A_123] : memref<100000xi32, #tpu.memory_space<hbm>> -> memref<16xi32, #tpu.memory_space<hbm>>
        tpu.wait_dma2 semaphore(%run_scoped3A : memref<!tpu.dma_semaphore, #tpu.memory_space<semaphore_mem>>) src(%dma_wait3A_152 : memref<16xi32, #tpu.memory_space<hbm>>) dst(%dma_wait3A_151 : memref<16xi32, #tpu.memory_space<vmem>>)
        tpu.yield
      }) : () -> ()
      %get3A_126 = arith.constant 3120 : index
      %get3A_127 = tpu.vector_load %arg5[%get3A_126] {strides = array<i32>} : memref<3136xi32, #tpu.memory_space<vmem>>, vector<16xi32>,
      %add3A_128 = arith.constant 1 : i32
      %add3A_129 = vector.broadcast %add3A_128 : i32 to vector<16xi32>
      %add3A_130 = arith.addi %get3A_127, %add3A_129 : vector<16xi32>
      %gather3A_131 = tpu.vector_load_idx %arg6[%add3A_130] : memref<2001xi32, #tpu.memory_space<vmem>>[vector<16xi32>], vector<16xi32>,
      %gather3A_132 = tpu.vector_load_idx %arg6[%get3A_127] : memref<2001xi32, #tpu.memory_space<vmem>>[vector<16xi32>], vector<16xi32>,
      %sub3A_133 = arith.subi %gather3A_131, %gather3A_132 : vector<16xi32>
      %convert_element_type3A_134 = arith.sitofp %sub3A_133 : vector<16xi32> to vector<16xf32>
      %mul3A_135 = arith.mulf %convert_element_type3A_134, %convert_element_type3A_134 : vector<16xf32>
      %div3A_136 = arith.constant 1.000000e+00 : f32
      %div3A_137 = vector.broadcast %div3A_136 : f32 to vector<16xf32>
      %div3A_138 = arith.divf %div3A_137, %mul3A_135 : vector<16xf32>
      %swap3A_139 = arith.constant 3120 : index
      %swap3A_140 = tpu.vector_load %arg8[%swap3A_139] {strides = array<i32>} : memref<3136xf32, #tpu.memory_space<vmem>>, vector<16xf32>,
      tpu.vector_store %arg8[%swap3A_139], %div3A_138 {strides = array<i32>} : memref<3136xf32, #tpu.memory_space<vmem>>, vector<16xf32>,
      "tpu.region"() ({
        %run_scoped3A = tpu.sem_alloc : memref<!tpu.dma_semaphore, #tpu.memory_space<semaphore_mem>>
        %dma_start3A_141 = arith.constant 3120 : i32
        %dma_start3A_142 = tpu.memref_slice %arg8[%dma_start3A_141] : memref<3136xf32, #tpu.memory_space<vmem>> -> memref<16xf32, #tpu.memory_space<vmem>>
        %dma_start3A_143 = tpu.memref_slice %arg4[%add3A_123] : memref<102400xf32, #tpu.memory_space<hbm>> -> memref<16xf32, #tpu.memory_space<hbm>>
        %dma_start3A_144 = tpu.memref_slice %arg4[%add3A_123] : memref<102400xf32, #tpu.memory_space<hbm>> -> memref<16xf32, #tpu.memory_space<hbm>>
        %dma_start3A_145 = arith.constant 3120 : i32
        %dma_start3A_146 = tpu.memref_slice %arg8[%dma_start3A_145] : memref<3136xf32, #tpu.memory_space<vmem>> -> memref<16xf32, #tpu.memory_space<vmem>>
        tpu.enqueue_dma source(%dma_start3A_146 : memref<16xf32, #tpu.memory_space<vmem>>) target(%dma_start3A_144 : memref<16xf32, #tpu.memory_space<hbm>>) target_semaphore(%run_scoped3A : memref<!tpu.dma_semaphore, #tpu.memory_space<semaphore_mem>>)
        %dma_wait3A_147 = arith.constant 3120 : i32
        %dma_wait3A_148 = tpu.memref_slice %arg8[%dma_wait3A_147] : memref<3136xf32, #tpu.memory_space<vmem>> -> memref<16xf32, #tpu.memory_space<vmem>>
        %dma_wait3A_149 = tpu.memref_slice %arg4[%add3A_123] : memref<102400xf32, #tpu.memory_space<hbm>> -> memref<16xf32, #tpu.memory_space<hbm>>
        %dma_wait3A_150 = tpu.memref_slice %arg4[%add3A_123] : memref<102400xf32, #tpu.memory_space<hbm>> -> memref<16xf32, #tpu.memory_space<hbm>>
        %dma_wait3A_151 = arith.constant 3120 : i32
        %dma_wait3A_152 = tpu.memref_slice %arg8[%dma_wait3A_151] : memref<3136xf32, #tpu.memory_space<vmem>> -> memref<16xf32, #tpu.memory_space<vmem>>
        tpu.wait_dma2 semaphore(%run_scoped3A : memref<!tpu.dma_semaphore, #tpu.memory_space<semaphore_mem>>) src(%dma_wait3A_152 : memref<16xf32, #tpu.memory_space<vmem>>) dst(%dma_wait3A_150 : memref<16xf32, #tpu.memory_space<hbm>>)
        tpu.yield
      }) : () -> ()
    } else {
    }
    return
  }
}

module attributes {stable_mosaic.version = 14 : i64} {
  func.func @_dense_body(%arg0: i32, %arg1: memref<1x1xf32, #tpu.memory_space<smem>>, %arg2: memref<1x1xf32, #tpu.memory_space<smem>>, %arg3: memref<1x1xf32, #tpu.memory_space<smem>>, %arg4: memref<1x1xf32, #tpu.memory_space<smem>>, %arg5: memref<7x25600xf32, #tpu.memory_space<vmem>>, %arg6: memref<25600xf32, #tpu.memory_space<vmem>>, %arg7: memref<25600xf32, #tpu.memory_space<vmem>>, %arg8: memref<25600xf32, #tpu.memory_space<vmem>>, %arg9: memref<25600xf32, #tpu.memory_space<vmem>>, %arg10: memref<25600xf32, #tpu.memory_space<vmem>>, %arg11: memref<25600xf32, #tpu.memory_space<vmem>>, %arg12: memref<25600xf32, #tpu.memory_space<vmem>>, %arg13: memref<25600xf32, #tpu.memory_space<vmem>>, %arg14: memref<25600xf32, #tpu.memory_space<vmem>>, %arg15: memref<1x1xf32, #tpu.memory_space<smem>>) attributes {dimension_semantics = [#tpu.dimension_semantics<arbitrary>], iteration_bounds = array<i64: 4>, scalar_prefetch = 0 : i64, scratch_operands = 0 : i64, tpu.core_type = #tpu.core_type<tc>, window_params = [{transform_indices = @transform_0, window_bounds = array<i64: 1, 1>}, {transform_indices = @transform_1, window_bounds = array<i64: 1, 1>}, {transform_indices = @transform_2, window_bounds = array<i64: 1, 1>}, {transform_indices = @transform_3, window_bounds = array<i64: 1, 1>}, {transform_indices = @transform_4, window_bounds = array<i64: 7, 25600>}, {transform_indices = @transform_5, window_bounds = array<i64: 25600>}, {transform_indices = @transform_6, window_bounds = array<i64: 25600>}, {transform_indices = @transform_7, window_bounds = array<i64: 25600>}, {transform_indices = @transform_8, window_bounds = array<i64: 25600>}, {transform_indices = @transform_9, window_bounds = array<i64: 25600>}, {transform_indices = @transform_10, window_bounds = array<i64: 25600>}, {transform_indices = @transform_11, window_bounds = array<i64: 25600>}, {transform_indices = @transform_12, window_bounds = array<i64: 25600>}, {transform_indices = @transform_13, window_bounds = array<i64: 25600>}, {transform_indices = @transform_14, window_bounds = array<i64: 1, 1>}]} {
    %get3A = arith.constant 0 : index
    %get3A_0 = arith.constant 0 : index
    %get3A_1 = vector.load %arg5[%get3A, %get3A_0] : memref<7x25600xf32, #tpu.memory_space<vmem>>, vector<1x25600xf32>
    %gt3A = arith.constant 5.000000e-01 : f32
    %gt3A_2 = vector.broadcast %gt3A : f32 to vector<1x25600xf32>
    %gt3A_3 = arith.cmpf ogt, %get3A_1, %gt3A_2 : vector<1x25600xf32>
    %convert_element_type3A = arith.extui %gt3A_3 : vector<1x25600xi1> to vector<1x25600xi32>
    %convert_element_type3A_4 = arith.sitofp %convert_element_type3A : vector<1x25600xi32> to vector<1x25600xf32>
    %reshape3A = vector.shape_cast %convert_element_type3A_4 : vector<1x25600xf32> to vector<25600xf32>
    %iota3A = tpu.iota {dimensions = array<i32: 1>} : vector<1x25600xi32>
    %iota3A_5 = vector.shape_cast %iota3A : vector<1x25600xi32> to vector<25600xi32>
    %mul3A = arith.constant 25600 : i32
    %mul3A_6 = arith.muli %arg0, %mul3A : i32
    %add3A = vector.broadcast %mul3A_6 : i32 to vector<25600xi32>
    %add3A_7 = arith.addi %iota3A_5, %add3A : vector<25600xi32>
    %lt3A = arith.constant 100000 : i32
    %lt3A_8 = vector.broadcast %lt3A : i32 to vector<25600xi32>
    %lt3A_9 = arith.cmpi slt, %add3A_7, %lt3A_8 : vector<25600xi32>
    %jit3A = arith.constant 0.000000e+00 : f32
    %broadcast_in_dim3A = vector.broadcast %jit3A : f32 to vector<25600xf32>
    %select_n3A = arith.select %lt3A_9, %reshape3A, %broadcast_in_dim3A : vector<25600xi1>, vector<25600xf32>
    %get3A_10 = arith.constant 0 : index
    %get3A_11 = vector.load %arg6[%get3A_10] : memref<25600xf32, #tpu.memory_space<vmem>>, vector<25600xf32>
    %get3A_12 = arith.constant 0 : index
    %get3A_13 = vector.load %arg10[%get3A_12] : memref<25600xf32, #tpu.memory_space<vmem>>, vector<25600xf32>
    %sub3A = arith.subf %get3A_11, %get3A_13 : vector<25600xf32>
    %get3A_14 = arith.constant 0 : index
    %get3A_15 = vector.load %arg7[%get3A_14] : memref<25600xf32, #tpu.memory_space<vmem>>, vector<25600xf32>
    %get3A_16 = arith.constant 0 : index
    %get3A_17 = vector.load %arg11[%get3A_16] : memref<25600xf32, #tpu.memory_space<vmem>>, vector<25600xf32>
    %sub3A_18 = arith.subf %get3A_15, %get3A_17 : vector<25600xf32>
    %get3A_19 = arith.constant 0 : index
    %get3A_20 = vector.load %arg8[%get3A_19] : memref<25600xf32, #tpu.memory_space<vmem>>, vector<25600xf32>
    %get3A_21 = arith.constant 0 : index
    %get3A_22 = vector.load %arg12[%get3A_21] : memref<25600xf32, #tpu.memory_space<vmem>>, vector<25600xf32>
    %sub3A_23 = arith.subf %get3A_20, %get3A_22 : vector<25600xf32>
    %get3A_24 = arith.constant 0 : index
    %get3A_25 = vector.load %arg9[%get3A_24] : memref<25600xf32, #tpu.memory_space<vmem>>, vector<25600xf32>
    %get3A_26 = arith.constant 0 : index
    %get3A_27 = vector.load %arg13[%get3A_26] : memref<25600xf32, #tpu.memory_space<vmem>>, vector<25600xf32>
    %sub3A_28 = arith.subf %get3A_25, %get3A_27 : vector<25600xf32>
    %get3A_29 = arith.constant 0 : index
    %get3A_30 = arith.constant 0 : index
    %get3A_31 = memref.load %arg1[%get3A_29, %get3A_30] : memref<1x1xf32, #tpu.memory_space<smem>>
    %mul3A_32 = arith.mulf %sub3A, %sub3A : vector<25600xf32>
    %mul3A_33 = vector.broadcast %get3A_31 : f32 to vector<25600xf32>
    %mul3A_34 = arith.mulf %mul3A_33, %mul3A_32 : vector<25600xf32>
    %get3A_35 = arith.constant 0 : index
    %get3A_36 = arith.constant 0 : index
    %get3A_37 = memref.load %arg2[%get3A_35, %get3A_36] : memref<1x1xf32, #tpu.memory_space<smem>>
    %mul3A_38 = arith.mulf %sub3A_18, %sub3A_18 : vector<25600xf32>
    %mul3A_39 = vector.broadcast %get3A_37 : f32 to vector<25600xf32>
    %mul3A_40 = arith.mulf %mul3A_39, %mul3A_38 : vector<25600xf32>
    %add3A_41 = arith.addf %mul3A_34, %mul3A_40 : vector<25600xf32>
    %get3A_42 = arith.constant 0 : index
    %get3A_43 = arith.constant 0 : index
    %get3A_44 = memref.load %arg3[%get3A_42, %get3A_43] : memref<1x1xf32, #tpu.memory_space<smem>>
    %mul3A_45 = arith.mulf %sub3A_23, %sub3A_23 : vector<25600xf32>
    %mul3A_46 = vector.broadcast %get3A_44 : f32 to vector<25600xf32>
    %mul3A_47 = arith.mulf %mul3A_46, %mul3A_45 : vector<25600xf32>
    %add3A_48 = arith.addf %add3A_41, %mul3A_47 : vector<25600xf32>
    %get3A_49 = arith.constant 0 : index
    %get3A_50 = arith.constant 0 : index
    %get3A_51 = memref.load %arg4[%get3A_49, %get3A_50] : memref<1x1xf32, #tpu.memory_space<smem>>
    %mul3A_52 = arith.mulf %sub3A_28, %sub3A_28 : vector<25600xf32>
    %mul3A_53 = vector.broadcast %get3A_51 : f32 to vector<25600xf32>
    %mul3A_54 = arith.mulf %mul3A_53, %mul3A_52 : vector<25600xf32>
    %add3A_55 = arith.addf %add3A_48, %mul3A_54 : vector<25600xf32>
    %lt3A_56 = arith.constant 100000 : i32
    %lt3A_57 = vector.broadcast %lt3A_56 : i32 to vector<25600xi32>
    %lt3A_58 = arith.cmpi slt, %add3A_7, %lt3A_57 : vector<25600xi32>
    %mul3A_59 = arith.mulf %add3A_55, %select_n3A : vector<25600xf32>
    %jit3A_60 = arith.constant 0.000000e+00 : f32
    %broadcast_in_dim3A_61 = vector.broadcast %jit3A_60 : f32 to vector<25600xf32>
    %select_n3A_62 = arith.select %lt3A_58, %mul3A_59, %broadcast_in_dim3A_61 : vector<25600xi1>, vector<25600xf32>
    %swap3A = arith.constant 0 : index
    %swap3A_63 = vector.load %arg14[%swap3A] : memref<25600xf32, #tpu.memory_space<vmem>>, vector<25600xf32>
    tpu.vector_store %arg14[%swap3A], %select_n3A_62 {strides = array<i32>} : memref<25600xf32, #tpu.memory_space<vmem>>, vector<25600xf32>,
    %eq3A = arith.constant 0 : i32
    %eq3A_64 = arith.cmpi eq, %arg0, %eq3A : i32
    %convert_element_type3A_65 = arith.extui %eq3A_64 : i1 to i32
    %cond3A = arith.constant 0 : i32
    %cond3A_66 = arith.cmpi ne, %convert_element_type3A_65, %cond3A : i32
    scf.if %cond3A_66 {
      %swap3A_78 = arith.constant 0.000000e+00 : f32
      %swap3A_79 = arith.constant 0 : index
      %swap3A_80 = arith.constant 0 : index
      %swap3A_81 = memref.load %arg15[%swap3A_79, %swap3A_80] : memref<1x1xf32, #tpu.memory_space<smem>>
      memref.store %swap3A_78, %arg15[%swap3A_79, %swap3A_80] : memref<1x1xf32, #tpu.memory_space<smem>>
    } else {
    }
    %get3A_67 = arith.constant 0 : index
    %get3A_68 = arith.constant 0 : index
    %get3A_69 = memref.load %arg15[%get3A_67, %get3A_68] : memref<1x1xf32, #tpu.memory_space<smem>>
    %reduce_sum3A = vector.shape_cast %select_n3A : vector<25600xf32> to vector<1x25600xf32>
    %reduce_sum3A_70 = arith.constant dense<0.000000e+00> : vector<1xf32>
    %reduce_sum3A_71 = vector.multi_reduction <add>, %reduce_sum3A, %reduce_sum3A_70 [1] : vector<1x25600xf32> to vector<1xf32>
    %reduce_sum3A_72 = vector.shape_cast %reduce_sum3A_71 : vector<1xf32> to vector<1x1xf32>
    %reduce_sum3A_73 = vector.extract %reduce_sum3A_72[0, 0] : f32 from vector<1x1xf32>
    %add3A_74 = arith.addf %get3A_69, %reduce_sum3A_73 : f32
    %swap3A_75 = arith.constant 0 : index
    %swap3A_76 = arith.constant 0 : index
    %swap3A_77 = memref.load %arg15[%swap3A_75, %swap3A_76] : memref<1x1xf32, #tpu.memory_space<smem>>
    memref.store %add3A_74, %arg15[%swap3A_75, %swap3A_76] : memref<1x1xf32, #tpu.memory_space<smem>>
    return
  }
  func.func @transform_0(%arg0: i32) -> (i32, i32) {
    %c0_i32 = arith.constant 0 : i32
    %c0_i32_0 = arith.constant 0 : i32
    %c0_i32_1 = arith.constant 0 : i32
    return %c0_i32, %c0_i32_0 : i32, i32
  }
  func.func @transform_1(%arg0: i32) -> (i32, i32) {
    %c0_i32 = arith.constant 0 : i32
    %c0_i32_0 = arith.constant 0 : i32
    %c0_i32_1 = arith.constant 0 : i32
    return %c0_i32, %c0_i32_0 : i32, i32
  }
  func.func @transform_2(%arg0: i32) -> (i32, i32) {
    %c0_i32 = arith.constant 0 : i32
    %c0_i32_0 = arith.constant 0 : i32
    %c0_i32_1 = arith.constant 0 : i32
    return %c0_i32, %c0_i32_0 : i32, i32
  }
  func.func @transform_3(%arg0: i32) -> (i32, i32) {
    %c0_i32 = arith.constant 0 : i32
    %c0_i32_0 = arith.constant 0 : i32
    %c0_i32_1 = arith.constant 0 : i32
    return %c0_i32, %c0_i32_0 : i32, i32
  }
  func.func @transform_4(%arg0: i32) -> (i32, i32) {
    %c0_i32 = arith.constant 0 : i32
    %c0_i32_0 = arith.constant 0 : i32
    return %c0_i32, %arg0 : i32, i32
  }
  func.func @transform_5(%arg0: i32) -> i32 {
    %c0_i32 = arith.constant 0 : i32
    return %arg0 : i32
  }
  func.func @transform_6(%arg0: i32) -> i32 {
    %c0_i32 = arith.constant 0 : i32
    return %arg0 : i32
  }
  func.func @transform_7(%arg0: i32) -> i32 {
    %c0_i32 = arith.constant 0 : i32
    return %arg0 : i32
  }
  func.func @transform_8(%arg0: i32) -> i32 {
    %c0_i32 = arith.constant 0 : i32
    return %arg0 : i32
  }
  func.func @transform_9(%arg0: i32) -> i32 {
    %c0_i32 = arith.constant 0 : i32
    return %arg0 : i32
  }
  func.func @transform_10(%arg0: i32) -> i32 {
    %c0_i32 = arith.constant 0 : i32
    return %arg0 : i32
  }
  func.func @transform_11(%arg0: i32) -> i32 {
    %c0_i32 = arith.constant 0 : i32
    return %arg0 : i32
  }
  func.func @transform_12(%arg0: i32) -> i32 {
    %c0_i32 = arith.constant 0 : i32
    return %arg0 : i32
  }
  func.func @transform_13(%arg0: i32) -> i32 {
    %c0_i32 = arith.constant 0 : i32
    return %arg0 : i32
  }
  func.func @transform_14(%arg0: i32) -> (i32, i32) {
    %c0_i32 = arith.constant 0 : i32
    %c0_i32_0 = arith.constant 0 : i32
    %c0_i32_1 = arith.constant 0 : i32
    return %c0_i32, %c0_i32_0 : i32, i32
  }
}

module attributes {stable_mosaic.version = 14 : i64} {
  func.func @_fin_body(%arg0: memref<800x128xf32, #tpu.memory_space<vmem>>, %arg1: memref<800x128xf32, #tpu.memory_space<vmem>>, %arg2: memref<1x1xf32, #tpu.memory_space<smem>>, %arg3: memref<1x1xf32, #tpu.memory_space<smem>>) attributes {dimension_semantics = [], scalar_prefetch = 0 : i64, scratch_operands = 0 : i64, tpu.core_type = #tpu.core_type<tc>} {
    %iota3A = tpu.iota {dimensions = array<i32: 0>} : vector<800x128xi32>
    %iota3A_0 = tpu.iota {dimensions = array<i32: 1>} : vector<800x128xi32>
    %mul3A = arith.constant 128 : i32
    %mul3A_1 = vector.broadcast %mul3A : i32 to vector<800x128xi32>
    %mul3A_2 = arith.muli %iota3A, %mul3A_1 : vector<800x128xi32>
    %add3A = arith.addi %mul3A_2, %iota3A_0 : vector<800x128xi32>
    %lt3A = arith.constant 100000 : i32
    %lt3A_3 = vector.broadcast %lt3A : i32 to vector<800x128xi32>
    %lt3A_4 = arith.cmpi slt, %add3A, %lt3A_3 : vector<800x128xi32>
    %get3A = arith.constant 0 : index
    %get3A_5 = arith.constant 0 : index
    %get3A_6 = vector.load %arg0[%get3A, %get3A_5] : memref<800x128xf32, #tpu.memory_space<vmem>>, vector<800x128xf32>
    %get3A_7 = arith.constant 0 : index
    %get3A_8 = arith.constant 0 : index
    %get3A_9 = vector.load %arg1[%get3A_7, %get3A_8] : memref<800x128xf32, #tpu.memory_space<vmem>>, vector<800x128xf32>
    %mul3A_10 = arith.mulf %get3A_6, %get3A_9 : vector<800x128xf32>
    %jit3A = arith.constant 0.000000e+00 : f32
    %broadcast_in_dim3A = vector.broadcast %jit3A : f32 to vector<800x128xf32>
    %select_n3A = arith.select %lt3A_4, %mul3A_10, %broadcast_in_dim3A : vector<800x128xi1>, vector<800x128xf32>
    %reduce_sum3A = vector.shape_cast %select_n3A : vector<800x128xf32> to vector<1x800x128xf32>
    %reduce_sum3A_11 = arith.constant dense<0.000000e+00> : vector<1xf32>
    %reduce_sum3A_12 = vector.multi_reduction <add>, %reduce_sum3A, %reduce_sum3A_11 [1, 2] : vector<1x800x128xf32> to vector<1xf32>
    %reduce_sum3A_13 = vector.shape_cast %reduce_sum3A_12 : vector<1xf32> to vector<1x1x1xf32>
    %reduce_sum3A_14 = vector.extract %reduce_sum3A_13[0, 0, 0] : f32 from vector<1x1x1xf32>
    %get3A_15 = arith.constant 0 : index
    %get3A_16 = arith.constant 0 : index
    %get3A_17 = memref.load %arg2[%get3A_15, %get3A_16] : memref<1x1xf32, #tpu.memory_space<smem>>
    %gt3A = arith.constant 0.000000e+00 : f32
    %gt3A_18 = arith.cmpf ogt, %get3A_17, %gt3A : f32
    %div3A = arith.divf %reduce_sum3A_14, %get3A_17 : f32
    %jit3A_19 = arith.constant 0.000000e+00 : f32
    %select_n3A_20 = arith.select %gt3A_18, %div3A, %jit3A_19 : f32
    %swap3A = arith.constant 0 : index
    %swap3A_21 = arith.constant 0 : index
    %swap3A_22 = memref.load %arg3[%swap3A, %swap3A_21] : memref<1x1xf32, #tpu.memory_space<smem>>
    memref.store %select_n3A_20, %arg3[%swap3A, %swap3A_21] : memref<1x1xf32, #tpu.memory_space<smem>>
    return
  }
}

</mosaic_0001>

<sc_bundles>
// kernel: kernel.5.cloned.1.call-start
scs
__scs_entry_jumppad:
0x0: {  	(pc) =	sbr.rel $0x88, $3  }
0x1: {  	(tag) =	ssettag $0x0;
	lr =	simm.s32 $0x1  }
0x2: {  	[smem:$0x3F92] =	sst lr;
	_ =	strace $0xD0000000  }
0x3: {  	_ = 	snop  }
0x4: {  	_ = 	snop  }
0x5: {  	_ = 	snop  }
0x6: {  	_ = 	snop  }
0x7: {  	_ = 	snop  }
__scs_overlays_trampoline_lowered:
0x8: {  	[smem:$0x3FA1] =	sst s0  }
0x9: {  	[smem:$0x3FA2] =	sst s1  }
0xa: {  	[smem:$0x3FA3] =	sst s2  }
0xb: {  	[smem:$0x3FA4] =	sst s3  }
0xc: {  	[smem:$0x3FA5] =	sst s4  }
0xd: {  	[smem:$0x3FA6] =	sst s5  }
0xe: {  	[smem:$0x3FA7] =	sst s6  }
0xf: {  	[smem:$0x3FA8] =	sst s7  }
0x10: {  	[smem:$0x3FA9] =	sst s8  }
0x11: {  	[smem:$0x3FAA] =	sst s9;
	s0 =	simm.s32 @!p0 $0x0  }
0x12: {  	s1 =	sld [smem:$0x3F90];
	s0 =	simm.s32 @p0 $0x1  }
0x13: {  	[smem:$0x3FAB] =	sst s0;
	s0 =	simm.s32 @!p1 $0x0  }
0x14: {  	s2 =	sld [smem:$0x3F8F];
	s0 =	simm.s32 @p1 $0x1  }
0x15: {  	[smem:$0x3FAC] =	sst s0;
	s0 =	simm.s32 @!p2 $0x0  }
0x16: {  	s3 =	sld [smem:$0x3FDB];
	s0 =	simm.s32 @p2 $0x1  }
0x17: {  	s4 =	simm.s32 $0x1BF5;
	[smem:$0x3FAE] =	sst s0  }
0x18: {  	s0 =	sld [smem:$0x3F91];
	_ =	swait.ge [sflag:s4], $0x0  }
0x19: {  	s7 =	sld [smem:$0x3F92]  }
0x1a: {  	s8 =	sadd.s32 $0xFFFFE003, lr  }
0x1b: {  	s9 =	sadd.s32 $0xFFFFFEF7, lr;
	s5 =	simm.s32 $0xFFFFFFFF;
	p2 =	slt.u32 s8, $0xFFFFF086  }
0x1c: {  	p1 =	slt.u32 s9, $0xF7A;
	s5 =	simm.s32 @!p2 $0x0  }
0x1d: {  	s5 =	simm.s32 @p1 $0x1;
	p0 =	seq.s32 s7, s2  }
0x1e: {  	s7 =	smul.u32 @!p0 $0xF7A, s2;
	p2 =	seq.s32 @!p0 s5, $0x0  }
0x1f: {  	s9 =	smul.u32 $0xF7A, s1;
	s8 =	simm.s32 @!p0 $0x1BF5;
	p2 =	por !p2, p0  }
0x20: {  	[sflag:s8] =	ssyncset.s32 @!p0 $0xFFFFF086;
	s6 =	sadd.s32 @!p0 s3, s7;
	s7 =	simm.s32 @!p0 $0x108  }
0x21: {  	s3 =	sadd.s32 s3, s9;
	s6 =	sadd.s32 @!p0 $0x88, s6;
	s7 =	simm.s32 @p2 $0x1082  }
0x22: {  	[simem:s7], [sflag:s8] =	dma.local @!p0 [hbm:s6], $0xF7A  }
0x23: {  	s9 =	sor.u32 $0xD0000000, s2;
	s6 =	simm.s32 $0x108;
	_ =	swait.ge @!p0 [sflag:s8], $0x0  }
0x24: {  	s3 =	sadd.s32 $0x88, s3;
	s6 =	simm.s32 @!p1 $0x1082;
	[sflag:s4] =	ssyncset.s32 $0xFFFFF086  }
0x25: {  	[simem:s6], [sflag:s4] =	dma.local [hbm:s3], $0xF7A  }
0x26: {  	[smem:$0x3F92] =	sst s1;
	(tag) =	ssettag s2;
	_ =	strace s9  }
0x27: {  	s1 =	sld [smem:$0x3FA2]  }
0x28: {  	s2 =	sld [smem:$0x3FA3]  }
0x29: {  	s4 =	sld [smem:$0x3FA5]  }
0x2a: {  	p0 =	seq.s32 s5, $0x0;
	s5 =	sld [smem:$0x3FA6]  }
0x2b: {  	s6 =	sld [smem:$0x3FA7]  }
0x2c: {  	s7 =	sld [smem:$0x3FA8]  }
0x2d: {  	s3 =	simm.s32 $0x108;
	s8 =	sld [smem:$0x3FA9]  }
0x2e: {  	s3 =	simm.s32 @!p0 $0x1082;
	s9 =	sld [smem:$0x3FAA]  }
0x2f: {  	lr =	sadd.s32 s0, s3;
	s0 =	sld [smem:$0x3FA1]  }
0x30: {  	s3 =	sld [smem:$0x3FA4]  }
0x31: {  	[smem:$0x3FAD] =	sst s10  }
0x32: {  	s10 =	sld [smem:$0x3FAB];
	_ =	sdelay $0x3  }
0x33: {  	p0 =	seq.s32 s10, $0x1;
	s10 =	sld [smem:$0x3FAD];
	_ =	sdelay $0x3  }
0x34: {  	[smem:$0x3FAD] =	sst s10  }
0x35: {  	s10 =	sld [smem:$0x3FAC];
	_ =	sdelay $0x3  }
0x36: {  	p1 =	seq.s32 s10, $0x1;
	s10 =	sld [smem:$0x3FAD];
	_ =	sdelay $0x3  }
0x37: {  	[smem:$0x3FAD] =	sst s10  }
0x38: {  	s10 =	sld [smem:$0x3FAE]  }
0x39: {  	_ = 	snop;
	(pc) =	sbr.ind lr, $3  }
0x3a: {  	_ = 	snop  }
0x3b: {  	_ = 	snop  }
0x3c: {  	p2 =	seq.s32 s10, $0x1;
	s10 =	sld [smem:$0x3FAD]  }
0x3d: {  	_ =	shalt  }
0x3e: {  	_ =	shalt  }
0x3f: {  	_ =	shalt  }
0x40: {  	_ =	shalt  }
0x41: {  	_ =	shalt  }
0x42: {  	_ =	shalt  }
0x43: {  	_ =	shalt  }
0x44: {  	_ =	shalt  }
0x45: {  	_ =	shalt  }
0x46: {  	_ =	shalt  }
0x47: {  	_ =	shalt  }
0x48: {  	_ =	shalt  }
0x49: {  	_ =	shalt  }
0x4a: {  	_ =	shalt  }
0x4b: {  	_ =	shalt  }
0x4c: {  	_ =	shalt  }
0x4d: {  	_ =	shalt  }
0x4e: {  	_ =	shalt  }
0x4f: {  	_ =	shalt  }
0x50: {  	_ =	shalt  }
0x51: {  	_ =	shalt  }
0x52: {  	_ =	shalt  }
0x53: {  	_ =	shalt  }
0x54: {  	_ =	shalt  }
0x55: {  	_ =	shalt  }
0x56: {  	_ =	shalt  }
0x57: {  	_ =	shalt  }
0x58: {  	_ =	shalt  }
0x59: {  	_ =	shalt  }
0x5a: {  	_ =	shalt  }
0x5b: {  	_ =	shalt  }
0x5c: {  	_ =	shalt  }
0x5d: {  	_ =	shalt  }
0x5e: {  	_ =	shalt  }
0x5f: {  	_ =	shalt  }
0x60: {  	_ =	shalt  }
0x61: {  	_ =	shalt  }
0x62: {  	_ =	shalt  }
0x63: {  	_ =	shalt  }
0x64: {  	_ =	shalt  }
0x65: {  	_ =	shalt  }
0x66: {  	_ =	shalt  }
0x67: {  	_ =	shalt  }
0x68: {  	_ =	shalt  }
0x69: {  	_ =	shalt  }
0x6a: {  	_ =	shalt  }
0x6b: {  	_ =	shalt  }
0x6c: {  	_ =	shalt  }
0x6d: {  	_ =	shalt  }
0x6e: {  	_ =	shalt  }
0x6f: {  	_ =	shalt  }
0x70: {  	_ =	shalt  }
0x71: {  	_ =	shalt  }
0x72: {  	_ =	shalt  }
0x73: {  	_ =	shalt  }
0x74: {  	_ =	shalt  }
0x75: {  	_ =	shalt  }
0x76: {  	_ =	shalt  }
0x77: {  	_ =	shalt  }
0x78: {  	_ =	shalt  }
0x79: {  	_ =	shalt  }
0x7a: {  	_ =	shalt  }
0x7b: {  	_ =	shalt  }
0x7c: {  	_ =	shalt  }
0x7d: {  	_ =	shalt  }
0x7e: {  	_ =	shalt  }
0x7f: {  	_ =	shalt  }
0x80: {  	_ =	shalt  }
0x81: {  	_ =	shalt  }
0x82: {  	_ =	shalt  }
0x83: {  	_ =	shalt  }
0x84: {  	_ =	shalt  }
0x85: {  	_ =	shalt  }
0x86: {  	_ =	shalt  }
0x87: {  	_ =	shalt  }
.Lfunc_end0:
.L_simem_size_0:
called_computation_lowered:
.L_overlay_start_0:
0x88: {  	s2 =	sld [smem:$0x3FD9]  }
0x89: {  	s3 =	sld [smem:$0x3FFE];
	_ =	sdelay $0x1  }
0x8a: {  	s1 =	srdreg.scid  }
0x8b: {  	s0 =	sand.u32 $0x1, s1  }
0x8c: {  	s17 =	sshll.u32 s0, $0xA;
	s2 =	sadd.s32 s3, s2  }
0x8d: {  	s2 =	sadd.s32 s2, s17  }
0x8e: {  	[smem:$0x3FB9] =	sst s2  }
0x8f: {  	_ = 	snop  }
0x90: {  	s2 =	sld [smem:$0x3FC8]  }
0x91: {  	s18 =	sld [smem:$0x3FC7];
	(tm) =	ssettm $0x1  }
0x92: {  	s4 =	sld [smem:$0x3FFB];
	_ =	sdelay $0x3  }
0x93: {  	_ =	strace s4  }
0x94: {  	s4 =	sld [smem:$0x3FFC];
	_ =	sdelay $0x3  }
0x95: {  	_ =	strace s4  }
0x96: {  	s4 =	sld [smem:$0x3FFD];
	_ =	sdelay $0x3  }
0x97: {  	_ =	strace s4  }
0x98: {  	_ =	strace $0x8FFFFFFF  }
0x99: {  	s19 =	sld [smem:$0x3FDB];
	_ =	sdelay $0x1  }
0x9a: {  	s5 =	simm.s32 $_scs_section_size  }
0x9b: {  	s6 =	simm.s32 $_size__tile_overlayer_lowered;
	s7 =	simm.s32 $_tile_overlayer_lowered  }
0x9c: {  	s22 =	simm.s32 $0x1BFF;
	s21 =	sshll.u32 s7, $0x1;
	s4 =	sadd.s32 s5, s19  }
0x9d: {  	s8 =	simm.s32 $0x0;
	s20 =	sshll.u32 s6, $0x1;
	s6 =	sadd.s32 s21, s4  }
0x9e: {  	[timem:s8], [sflag:s22] =	dma.local [hbm:s6], s20  }
0x9f: {  	_ =	swait.ge [sflag:s22], s20  }
0xa0: {  	s5 =	ssub.s32 $0x0, s20;
	[sflag:s22] =	ssyncset.done $0x0  }
0xa1: {  	[sflag:s22] =	ssyncadd.s32 s5;
	_ =	sdelay $0x1  }
0xa2: {  	s23 =	simm.s32 $0x1B8B  }
0xa3: {  	_ =	swait.ge [sflag:s23], $0x1  }
0xa4: {  	[sflag:s23] =	ssyncset.done $0x0  }
0xa5: {  	s25 =	simm.s32 $0x1B8E;
	s24 =	sld [smem:$0x3FFE];
	[sflag:s23] =	ssyncadd.s32 $0xFFFFFFFF  }
0xa6: {  	s26 =	simm.s32 $execute0_lowered;
	[smem:$0x3FD2] =	sst s25  }
0xa7: {  	s6 =	sshll.u32 s26, $0x1;
	_ =	strace $0x80000046;
	[dreg:$0x1] =	wrdreg $0xFFFFFFFF  }
0xa8: {  	s28 =	simm.s32 $_size_execute0_lowered;
	s4 =	sadd.s32 s4, s6;
	[dreg:$0x0] =	wrdreg $0x0  }
0xa9: {  	s6 =	sshll.u32 s28, $0x1;
	[dreg:$0x2] =	wrdreg s4  }
0xaa: {  	[dreg:$0x3] =	wrdreg s6  }
0xab: {  	[dreg:$0x4] =	wrdreg $0xC0  }
0xac: {  	_ =	task [dreg:s8], $0x5FFFF  }
0xad: {  	[dreg:$0x1] =	wrdreg $0xFFFFFFFF  }
0xae: {  	[dreg:$0x0] =	wrdreg $0x60  }
0xaf: {  	[dreg:$0x2] =	wrdreg s2  }
0xb0: {  	[dreg:$0x3] =	wrdreg s18  }
0xb1: {  	[dreg:$0x4] =	wrdreg s24  }
0xb2: {  	[dreg:$0x5] =	wrdreg $0x9  }
0xb3: {  	_ =	task.clear_ibuf [dreg:s8], $0x6FFFF;
	_ =	strace $0x90000046  }
0xb4: {  	s29 =	simm.s32 $0x9;
	_ =	strace $0x80000048  }
0xb5: {  	_ =	swait.ge [sflag:s29], $0x1  }
0xb6: {  	[sflag:s29] =	ssyncadd.s32 $0xFFFFFFFF  }
0xb7: {  	_ =	strace $0x90000048  }
0xb8: {  	_ =	sfence  }
0xb9: {  	s30 =	sld [smem:$0x0];
	_ =	sdelay $0x2  }
0xba: {  	s31 =	sshll.u32 s1, $0xD;
	s1 =	sshrl.u32 s1, $0x2  }
0xbb: {  	s3 =	sand.u32 $0x4000, s31;
	s1 =	sadd.s32 s1, s30  }
0xbc: {  	s0 =	sor.u32 s3, s0;
	s1 =	sshll.u32 s1, $0x11  }
0xbd: {  	s0 =	sor.u32 s1, s0  }
0xbe: {  	s0 =	sadd.s32 $0x8F2B, s0  }
0xbf: {  	[sflag:s0] =	ssyncadd.remote.s32 $0x1  }
0xc0: {  	_ =	sfence.sel $0xFFFF  }
0xc1: {  	[dreg:$0x0] =	wrdreg $0xFFFFFFFF;
	(pc) =	sbr.abs _section_cstart, $3  }
0xc2: {  	[dreg:$0x1] =	wrdreg $0xFFFFFFFF  }
0xc3: {  	_ =	task.clear_ibuf [dreg:s8], $0x2FFFF;
	_ =	strace $0x9FFFFFFF  }
0xc4: {  	(tm) =	ssettm $0x7FFFFFFF  }
0xc5: {  	_ =	shalt  }
tec
execute0_lowered:
.L_overlay_start_1:
0x0: {  	(tag) =	ssettag $0x1  }
0x1: {  	s6 =	rddreg [dreg:$0x0]  }
0x2: {  	s1 =	rddreg [dreg:$0x1]  }
0x3: {  	s4 =	rddreg [dreg:$0x2]  }
0x4: {  	s0 =	rddreg [dreg:$0x3]  }
0x5: {  	s3 =	simm.s32 $0x0;
	s5 =	srdreg.scid;
	s2 =	stileid.u32  }
0x6: {  	s11 =	simm.s32 $0x1418;
	s12 =	simm.s32 $0x1BE8;
	s13 =	simm.s32 $0x2  }
0x7: {  	s14 =	simm.s32 $0x0;
	s5 =	sand.u32 $0x1, s5;
	s7 =	sshll.u32 s2, $0x1  }
0x8: {  	[smem:$0x7FF] =	sst s3;
	s8 =	ssub.s32 $0x2, s5;
	s5 =	sor.u32 s5, s7  }
0x9: {  	s10 =	sadd.s32 $0x1A00, s4;
	p0 =	sgt.u32 s2, $0x4;
	s9 =	smul.u32 $0x186, s5  }
0xa: {  	_ =	strace $0x80000047;
	s30 =	sshrl.u32 s8, $0x1;
	s5 =	sshll.u32 s5, $0x1  }
0xb: {  	s8 =	ssub.s32 s8, s30;
	s31 =	sor.u32 $0x30C0, s5;
	s4 =	sadd.s32 s6, s9  }
0xc: {  	s5 =	sadd.s32 s10, s9;
	s6 =	sadd.s32 s6, s31;
	s7 =	sadd.s32 s10, s31  }
0xd: {  	v0 =	vlaneseq.u32;
	s8 =	smax.u32 s8, $0x1;
	s9 =	simm.s32 $0xC40;
	s10 =	simm.s32 $0x1  }
.LBB2_1:
0xe: {  	[tilespmem:s9], [sflag:$0x1] =	stream.linear.gather [hbm4b:s1+s3], $0x7D8, $0x38;
	[tilespmem:$0x2828] =	vst v63  }
0xf: {  	_ = 	snop  }
0x10: {  	[tilespmem:s3], [sflag:$0x1] =	stream.linear.gather [hbm4b:s4+s3], $0xC30, $0x38;
	[tilespmem:$0x2828] =	vst v63  }
0x11: {  	_ =	swait.ge [sflag:s10], $0x7D8  }
0x12: {  	[sflag:s10] =	ssyncset.done $0x0  }
0x13: {  	[sflag:s10] =	ssyncadd.s32 $0xFFFFF828  }
0x14: {  	_ =	swait.ge [sflag:s10], $0xC30  }
0x15: {  	[sflag:s10] =	ssyncset.done $0x0  }
0x16: {  	[sflag:s10] =	ssyncadd.s32 $0xFFFFF3D0  }
0x17: {  	v1 =	vld [tilespmem:$0x0];
	_ =	sdelay $0x4  }
0x18: {  	v1 =	vxor.u32 $0x80000000, v1  }
0x19: {  	(xrf0) =	vmin.scan.msk.u32 $0xffff, v1  }
0x1a: {  	v1 =	vld [tilespmem:$0xC20];
	_ =	sdelay $0x4  }
0x1b: {  	v1 =	vxor.u32 $0x80000000, v1;
	v2, _, _ =	vpop (xrf0)  }
0x1c: {  	(xrf0) =	vmax.scan.msk.u32 $0xffff, v1;
	(v2sf) =	vpush v2, $0xF;
	_ =	sdelay $0x5  }
0x1d: {  	v1, _, _ =	vpop (xrf0)  }
0x1e: {  	(v2sf) =	vpush v1, $0xF;
	_ =	sdelay $0x7  }
0x1f: {  	s15 =	spop (v2sf)  }
0x20: {  	s16 =	sxor.u32 $0x80000000, s15  }
0x21: {  	p2 =	sgt.s32 s15, $0xFFFFFFFF;
	s15 =	sand.u32 $0xF, s15;
	p1 =	slt.s32 s16, $0x1  }
0x22: {  	s17 =	sshra.s32 s16, $0x1F;
	p4 =	sne.s32 s15, $0x0;
	p1 =	por p2, p1  }
0x23: {  	s29 =	sshrl.u32 s17, $0x1C;
	p1 =	por !p4, !p1  }
0x24: {  	s15 =	sadd.s32 s29, s16;
	s16 =	simm.s32 $0x1;
	p1 =	por !p1, !p1  }
0x25: {  	s15 =	sshra.s32 s15, $0x4;
	s16 =	simm.s32 @!p1 $0x0  }
0x26: {  	s30 =	spop (v2sf);
	s15 =	ssub.s32 s15, s16  }
0x27: {  	s18 =	sxor.u32 $0x80000000, s30;
	s16 =	sshll.u32 s15, $0x4  }
0x28: {  	s19 =	ssub.s32 s18, s16;
	p1 =	sne.s32 s18, s16;
	s18 =	simm.s32 $0x1  }
0x29: {  	s20 =	sshra.s32 s19, $0x1F;
	s18 =	simm.s32 @!p1 $0x0  }
0x2a: {  	s17 =	sand.u32 $0xF, s30;
	s18 =	sor.u32 s18, s20  }
0x2b: {  	p6 =	sne.s32 s17, $0x0;
	p5 =	sne.s32 s18, $0x1  }
0x2c: {  	s31 =	sshrl.u32 s20, $0x1C;
	p1 =	por !p6, !p5  }
0x2d: {  	s17 =	sadd.s32 s31, s19;
	s18 =	simm.s32 $0x1;
	p1 =	por !p1, !p1  }
0x2e: {  	s17 =	sshra.s32 s17, $0x4;
	s18 =	simm.s32 @!p1 $0x0  }
0x2f: {  	s18 =	ssub.s32 s17, s18  }
0x30: {  	p2 =	slt.s32 s18, $0x0  }
.Ltmp0:
0x31: {  	_ = 	snop;
	(pc) =	sbr.rel @p2 .LBB2_10-.Ltmp0, $1  }
0x32: {  	_ =	sdelay $0x3  }
0x33: {  	s18 =	simm.s32 $0xFFFFFFFF  }
0x34: {  	s18 =	simm.s32 @!p1 $0x0  }
0x35: {  	s17 =	sadd.s32 s18, s17  }
0x36: {  	s18 =	sadd.s32 $0x1, s17  }
0x37: {  	p3 =	sne.s32 s18, $0x1  }
.Ltmp1:
0x38: {  	_ = 	snop;
	(pc) =	sbr.rel @!p3 .LBB2_3-.Ltmp1, $4  }
0x39: {  	_ = 	snop  }
0x3a: {  	s15 =	sshll.u32 s15, $0x6;
	p2 =	por $0x0, $0x0  }
0x3b: {  	s15 =	sshra.s32 s15, $0x2;
	p1 =	por $0x0, $0x0;
	s17 =	sadd.s32 $0x1, s16  }
0x3c: {  	s16 =	sadd.s32 $0xC40, s15;
	s15 =	sadd.s32 $0x1418, s15;
	v1 =	vadd.s32 s17, v0;
	s19 =	sadd.s32 $0xFFFFFFFF, s18  }
0x3d: {  	_ =	sdelay $0x3  }
0x3e: {  	v1 =	vld.idx.msk [tilespmem:v1+s9+$0x0], $0xffff  }
0x3f: {  	v2 =	vld [tilespmem:s16+$0x0];
	_ =	sdelay $0x4  }
0x40: {  	p3 =	sne.s32 s19, $0x1;
	v1 =	vsub.s32 v1, v2  }
.Ltmp2:
0x41: {  	v1 =	vcvt.s32.f32 v1;
	(pc) =	sbr.rel @!p3 .LBB2_5-.Ltmp2, $4  }
0x42: {  	_ = 	snop  }
0x43: {  	v1 =	vmul.f32 v1, v1  }
0x44: {  	s18 =	sadd.s32 $0x10, s17  }
0x45: {  	s20 =	sadd.s32 $0xFFFFFFFF, s19;
	p1 =	por $0x1, $0x1;
	(erf) = vrcp.f32 v1;
	v1 =	vadd.s32 s18, v0  }
0x46: {  	_ =	sdelay $0x7  }
0x47: {  	v2 =	vpop (erf)  }
0x48: {  	[tilespmem:s15+$0x0] =	vst v2  }
0x49: {  	s17 =	sadd.s32 $0x10, s16;
	v1 =	vld.idx.msk [tilespmem:v1+s9+$0x0], $0xffff  }
0x4a: {  	v2 =	vld [tilespmem:s17+$0x0];
	_ =	sdelay $0x4  }
0x4b: {  	v1 =	vsub.s32 v1, v2  }
0x4c: {  	v1 =	vcvt.s32.f32 v1;
	_ =	sdelay $0x1  }
0x4d: {  	v1 =	vmul.f32 v1, v1;
	_ =	sdelay $0x1  }
0x4e: {  	(erf) = vrcp.f32 v1  }
0x4f: {  	p3 =	sne.s32 s20, $0x1  }
.Ltmp3:
0x50: {  	_ = 	snop;
	(pc) =	sbr.rel @!p3 .LBB2_7-.Ltmp3, $3  }
0x51: {  	_ =	sdelay $0x1  }
0x52: {  	s19 =	sadd.s32 $0x10, s18  }
0x53: {  	s20 =	sadd.s32 $0xFFFFFFFF, s20;
	p2 =	por $0x1, $0x1;
	s18 =	smov.u32 s15;
	v1 =	vadd.s32 s19, v0  }
.LBB2_8:
0x54: {  	p3 =	sne.s32 s20, $0x1;
	_ =	sdelay $0x1  }
0x55: {  	s18 =	sadd.s32 $0x10, s18;
	v2 =	vpop (erf)  }
0x56: {  	[tilespmem:s18+$0x0] =	vst v2  }
0x57: {  	s17 =	sadd.s32 $0x10, s17;
	v1 =	vld.idx.msk [tilespmem:v1+s9+$0x0], $0xffff  }
0x58: {  	v2 =	vld [tilespmem:s17+$0x0];
	_ =	sdelay $0x4  }
0x59: {  	v1 =	vsub.s32 v1, v2  }
0x5a: {  	v1 =	vcvt.s32.f32 v1;
	_ =	sdelay $0x1  }
0x5b: {  	v1 =	vmul.f32 v1, v1;
	_ =	sdelay $0x1  }
0x5c: {  	(erf) = vrcp.f32 v1;
	_ =	sdelay $0x1  }
.Ltmp4:
0x5d: {  	(pc) =	sbr.rel @p3 .LBB2_8-.Ltmp4, $3  }
0x5e: {  	_ =	sdelay $0x1  }
0x5f: {  	s19 =	sadd.s32 $0x10, s19  }
0x60: {  	s20 =	sadd.s32 $0xFFFFFFFF, s20;
	v1 =	vadd.s32 s19, v0  }
.LBB2_9:
0x61: {  	_ = 	snop  }
0x62: {  	s18 =	sadd.s32 @p2 $0x10, s18;
	s19 =	smov.u32 s15  }
0x63: {  	s19 =	smov.u32 @p2 s18;
	v2 =	vpop @p1 (erf)  }
0x64: {  	s17 =	sadd.s32 @p1 $0x10, s17;
	[tilespmem:s19+$0x0] =	vst @p1 v2  }
0x65: {  	s16 =	smov.u32 @p1 s17;
	v1 =	vld.idx.msk [tilespmem:v1+s9+$0x0], $0xffff  }
0x66: {  	v2 =	vld [tilespmem:s16+$0x0];
	_ =	sdelay $0x4  }
0x67: {  	v1 =	vsub.s32 v1, v2  }
0x68: {  	v1 =	vcvt.s32.f32 v1;
	_ =	sdelay $0x1  }
0x69: {  	v1 =	vmul.f32 v1, v1;
	_ =	sdelay $0x1  }
0x6a: {  	(erf) = vrcp.f32 v1;
	_ =	sdelay $0x7  }
0x6b: {  	s16 =	sadd.s32 @p1 $0x10, s19  }
0x6c: {  	s15 =	smov.u32 @p1 s16;
	v1 =	vpop (erf)  }
0x6d: {  	[tilespmem:s15+$0x0] =	vst v1  }
.LBB2_10:
0x6e: {  	s15 =	simm.s32 $0xFFFFFFFC;
	s16 =	simm.s32 $0x20;
	s17 =	simm.s32 $0x1C08  }
.LBB2_11:
0x6f: {  	v1 =	vld [tilespmem:s16+$0xFFFFFFE0];
	_ =	sdelay $0x7  }
0x70: {  	v1 =	vld.idx.msk [tilespmem:v1+s11+$0x0], $0xffff;
	_ =	sdelay $0x4  }
0x71: {  	[tilespmem:s17+$0xFFFFFFE0] =	vst v1  }
0x72: {  	v1 =	vld [tilespmem:s16+$0xFFFFFFF0];
	_ =	sdelay $0x7  }
0x73: {  	v1 =	vld.idx.msk [tilespmem:v1+s11+$0x0], $0xffff;
	_ =	sdelay $0x4  }
0x74: {  	[tilespmem:s17+$0xFFFFFFF0] =	vst v1  }
0x75: {  	v1 =	vld [tilespmem:s16+$0x0];
	_ =	sdelay $0x7  }
0x76: {  	v1 =	vld.idx.msk [tilespmem:v1+s11+$0x0], $0xffff;
	_ =	sdelay $0x4  }
0x77: {  	[tilespmem:s17+$0x0] =	vst v1  }
0x78: {  	v1 =	vld [tilespmem:s16+$0x10];
	_ =	sdelay $0x6  }
0x79: {  	s15 =	sadd.s32 $0x4, s15  }
0x7a: {  	p1 =	slt.u32 s15, $0xBC;
	v1 =	vld.idx.msk [tilespmem:v1+s11+$0x0], $0xffff  }
.Ltmp5:
0x7b: {  	_ = 	snop;
	(pc) =	sbr.rel @p1 .LBB2_11-.Ltmp5, $2  }
0x7c: {  	_ =	sdelay $0x2  }
0x7d: {  	s16 =	sadd.s32 $0x40, s16;
	[tilespmem:s17+$0x10] =	vst v1;
	s17 =	sadd.s32 $0x40, s17  }
0x7e: {  	v1 =	vld [tilespmem:$0xC00];
	_ =	sdelay $0x5  }
0x7f: {  	v2 =	vld [tilespmem:$0xC10];
	_ =	sdelay $0x1  }
0x80: {  	v1 =	vld.idx.msk [tilespmem:v1+s11+$0x0], $0xffff;
	_ =	sdelay $0x3  }
0x81: {  	v3 =	vld [tilespmem:$0xC20]  }
0x82: {  	[tilespmem:$0x27E8] =	vst v1  }
0x83: {  	v1 =	vld.idx.msk [tilespmem:v2+s11+$0x0], $0xffff;
	_ =	sdelay $0x4  }
0x84: {  	[tilespmem:$0x27F8] =	vst v1  }
0x85: {  	v1 =	vld.idx.msk [tilespmem:v3+s11+$0x0], $0xffff;
	_ =	sdelay $0x4  }
0x86: {  	[tilespmem:$0x2808] =	vst v1  }
0x87: {  	[hbm4b:s5+s3] =	stream.linear.scatter [tilespmem:s12], [sflag:$0x2], $0xC30, $0x38;
	[tilespmem:$0x2828] =	vst v63  }
0x88: {  	_ =	swait.ge [sflag:s13], $0xC30  }
0x89: {  	[sflag:s13] =	ssyncset.done $0x0  }
0x8a: {  	s15 =	simm.s32 @!p0 $0x0;
	s16 =	simm.s32 @!p0 $0xC30;
	[sflag:s13] =	ssyncadd.s32 $0xFFFFF3D0  }
0x8b: {  	[tilespmem:s16], [sflag:$0x2] =	stream.linear.gather @!p0 [hbm4b:s6+s15], $0x10, $0x38;
	[tilespmem:$0x2828] =	vst v63  }
0x8c: {  	s16 =	simm.s32 @!p0 $0x2  }
0x8d: {  	_ =	swait.ge @!p0 [sflag:s16], $0x10  }
0x8e: {  	[sflag:s16] =	ssyncset.done @!p0 $0x0  }
0x8f: {  	[sflag:s16] =	ssyncadd.s32 @!p0 $0xFFFFFFF0  }
0x90: {  	v1 =	vld @!p0 [tilespmem:$0xC30];
	_ =	sdelay $0x4  }
0x91: {  	v2 =	vadd.s32 @!p0 $0x1, v1;
	_ =	sdelay $0x2  }
0x92: {  	s17 =	simm.s32 @!p0 $0xC40  }
0x93: {  	v1 =	vld.idx.msk @!p0 [tilespmem:v1+s17+$0x0], $0xffff  }
0x94: {  	v2 =	vld.idx.msk @!p0 [tilespmem:v2+s17+$0x0], $0xffff;
	_ =	sdelay $0x4  }
0x95: {  	v1 =	vsub.s32 @!p0 v2, v1  }
0x96: {  	v1 =	vcvt.s32.f32 @!p0 v1;
	_ =	sdelay $0x1  }
0x97: {  	v1 =	vmul.f32 @!p0 v1, v1;
	_ =	sdelay $0x1  }
0x98: {  	(erf) = vrcp.f32 @!p0 v1;
	_ =	sdelay $0x8  }
0x99: {  	s14 =	sadd.s32 $0x1, s14;
	v1 =	vpop @!p0 (erf)  }
0x9a: {  	p1 =	sne.s32 s14, s8;
	s17 =	simm.s32 @!p0 $0x2818;
	[tilespmem:$0x2818] =	vst @!p0 v1  }
0x9b: {  	[hbm4b:s7+s15] =	stream.linear.scatter @!p0 [tilespmem:s17], [sflag:$0x2], $0x10, $0x38;
	[tilespmem:$0x2828] =	vst v63  }
.Ltmp6:
0x9c: {  	_ = 	snop;
	(pc) =	sbr.rel @p1 .LBB2_1-.Ltmp6, $4  }
.Ltmp7:
0x9d: {  	_ = 	snop;
	(pc) =	sbr.rel @!p1 .LBB2_13-.Ltmp7, $4  }
0x9e: {  	_ =	swait.ge @!p0 [sflag:s16], $0x10  }
0x9f: {  	[sflag:s16] =	ssyncset.done @!p0 $0x0  }
0xa0: {  	[sflag:s16] =	ssyncadd.s32 @!p0 $0xFFFFFFF0  }
0xa1: {  	_ = 	snop  }
.LBB2_3:
.Ltmp8:
0xa2: {  	(pc) =	sbr.rel .LBB2_9-.Ltmp8, $2  }
0xa3: {  	_ =	sdelay $0x2  }
0xa4: {  	s18 =	smov.u32 s15;
	s17 =	smov.u32 s16  }
.LBB2_5:
.Ltmp9:
0xa5: {  	(pc) =	sbr.rel .LBB2_9-.Ltmp9, $2  }
0xa6: {  	_ =	sdelay $0x2  }
0xa7: {  	s18 =	smov.u32 s15;
	s17 =	smov.u32 s16  }
.LBB2_7:
.Ltmp10:
0xa8: {  	(pc) =	sbr.rel .LBB2_9-.Ltmp10, $2  }
0xa9: {  	_ =	sdelay $0x2  }
0xaa: {  	s18 =	smov.u32 s15  }
.LBB2_13:
0xab: {  	_ =	sfence.sel $0x180000  }
0xac: {  	[bflag:$0x0] =	sbarrier.arrive $0xFFFF  }
0xad: {  	p0 =	sne.s32 s2, $0x0;
	_ =	strace $0x90000047  }
0xae: {  	s0 =	sadd.s32 @!p0 $0x100000, s0;
	[bflag:$0x2] =	sbarrier.arrive $0xFFFF  }
0xaf: {  	[sflag:s0] =	ssyncadd.tile.s32 @!p0 $0x1;
	_ =	shalt  }
.Lfunc_end2:
_tile_overlayer_lowered:
.L_overlay_start_2:
0xb0: {  	(tag) =	ssettag $0x2  }
0xb1: {  	s0 =	rddreg [dreg:$0x0];
	s2 =	stileid.u32  }
0xb2: {  	s1 =	rddreg [dreg:$0x1];
	p0 =	sne.s32 s2, $0x0  }
0xb3: {  	s3 =	rddreg [dreg:$0x2];
	[bflag:$0x3] =	sbarrier.arrive $0xFFFF;
	s2 =	simm.s32 @!p0 $0x1C02  }
0xb4: {  	[timem:s3], [sflag:s2] =	dma.local @!p0 [hbm:s0], s1  }
0xb5: {  	s0 =	simm.s32 @!p0 $0x2  }
0xb6: {  	_ =	swait.ge @!p0 [sflag:s0], s1  }
0xb7: {  	s1 =	ssub.s32 @!p0 $0x0, s1;
	[sflag:s0] =	ssyncset.done @!p0 $0x0  }
0xb8: {  	[sflag:s0] =	ssyncadd.s32 @!p0 s1  }
0xb9: {  	[bflag:$0x3] =	sbarrier.arrive $0xFFFF  }
0xba: {  	_ =	shalt  }

</sc_bundles>
